<compile_context>
chip_gen: v7x
topology: tpu7x:2x2x1
jax: 0.10.2.dev20260603
libtpu: 0.0.44.dev20260713+nightly
codegen_flags: <defaults>
</compile_context>

<pallas_src>
import functools

import jax
import jax.numpy as jnp
import numpy as np
from jax.experimental import pallas as pl
from jax.experimental.pallas import tpu as pltpu

NUM_NODES = 1000000
K = 5
SUB = 8
LANES = 1024
TILE = SUB * LANES
UNROLL = 2
NCHUNK = -(-NUM_NODES // (TILE * UNROLL)) * UNROLL
NPAD = NCHUNK * TILE

_U32 = jnp.uint32
_MIN32 = -0x80000000


def _rotl(x, r):
    return (x << _U32(r)) | (x >> _U32(32 - r))


def _threefry(x0, x1):
    ks = (0, 42, (0 ^ 42 ^ 0x1BD11BDA) & 0xFFFFFFFF)
    rot1 = (13, 15, 26, 6)
    rot2 = (17, 29, 16, 24)
    for i in range(5):
        for r in (rot1 if i % 2 == 0 else rot2):
            x0 = x0 + x1
            x1 = _rotl(x1, r)
            x1 = x1 ^ x0
        kx = ks[(i + 1) % 3]
        ky = (ks[(i + 2) % 3] + i + 1) & 0xFFFFFFFF
        if kx:
            x0 = x0 + _U32(kx)
        x1 = x1 + _U32(ky)
    return x0, x1


def _sampler_kernel(q_ref, off_ref, out_ref):
    row = pl.program_id(0) + off_ref[0]
    m = row * 15625
    base_lo = (m << 6).astype(jnp.int32)
    base_hi = m >> 26

    iota_s = jax.lax.broadcasted_iota(jnp.int32, (SUB, LANES), 0)
    iota_l = jax.lax.broadcasted_iota(jnp.int32, (SUB, LANES), 1)
    iota2d = iota_s * LANES + iota_l
    iota2d_u = iota2d.astype(_U32)

    kmin0 = jnp.full((SUB, LANES), 0x7FFFFFFF, jnp.int32)

    def eval_chunk(j):
        S = base_lo + j * TILE
        wrapped = (S ^ _MIN32) < (base_lo ^ _MIN32)
        hi0 = base_hi + wrapped.astype(jnp.int32)
        hi1 = hi0 + 1
        thresh_raw = -S
        valid = jnp.logical_and(thresh_raw > 0, thresh_raw <= TILE)
        thresh = jnp.where(valid, thresh_raw, jnp.int32(TILE))
        x1 = (iota2d_u + (S + 42).astype(_U32))
        lane_carry = iota2d >= thresh
        x0 = jnp.where(lane_carry, hi1, hi0).astype(_U32)
        b0, b1 = _threefry(x0, x1)
        bits = b0 ^ b1
        fb = (bits >> _U32(9)) | _U32(0x3F800000)
        u = jax.lax.bitcast_convert_type(fb, jnp.float32) - jnp.float32(1.0)
        q = q_ref[pl.ds(j * SUB, SUB), :]
        t = jnp.log2(u) * q
        tb = jax.lax.bitcast_convert_type(t, jnp.int32)
        return (tb & jnp.int32(-128)) | j

    def step(i, kmin):
        j = i * UNROLL
        k = jnp.minimum(eval_chunk(j), eval_chunk(j + 1))
        return jnp.minimum(kmin, k)

    kmin = jax.lax.fori_loop(0, NCHUNK // UNROLL, step, kmin0)
    kbest = jnp.min(kmin)
    jwin = kbest & 127
    cand = jnp.where(kmin == kbest, jwin * TILE + iota2d, jnp.int32(2**31 - 1))
    winner = jnp.min(cand)
    out_ref[...] = jnp.full((1, 1, 128), winner, jnp.int32)


def _run_sampler(q2d, row_off, num_rows):
    return pl.pallas_call(
        _sampler_kernel,
        grid=(num_rows,),
        in_specs=[
            pl.BlockSpec((NCHUNK * SUB, LANES), lambda i: (0, 0)),
            pl.BlockSpec(memory_space=pltpu.SMEM),
        ],
        out_specs=pl.BlockSpec((1, 1, 128), lambda i: (i, 0, 0)),
        out_shape=jax.ShapeDtypeStruct((num_rows, 1, 128), jnp.int32),
    )(q2d, row_off)


def kernel(batch, table, probs):
    B = batch.shape[0]
    D = table.shape[1]
    q = 1.0 / probs
    qpad = jnp.full((NPAD,), 1e30, jnp.float32).at[:NUM_NODES].set(q)
    q2d = qpad.reshape(NCHUNK * SUB, LANES)

    devs = jax.devices()
    rows = B * K
    if len(devs) >= 2 and rows % 2 == 0:
        mesh = jax.sharding.Mesh(np.array(devs[:2]), ("x",))
        P = jax.sharding.PartitionSpec

        def _shard_fn(q2d_):
            off = (jax.lax.axis_index("x") * (rows // 2)).astype(jnp.int32)
            return _run_sampler(q2d_, off.reshape(1), rows // 2)

        samp = jax.shard_map(
            _shard_fn, mesh=mesh, in_specs=P(None, None),
            out_specs=P("x", None, None), check_vma=False,
        )(q2d)
    else:
        samp = _run_sampler(q2d, jnp.zeros((1,), jnp.int32), rows)
    neg_idx = samp[:, 0, 0]

    target_embeddings = jnp.take(table, batch[:, 0], axis=0)
    context_embeddings = jnp.take(table, batch[:, 1], axis=0)
    pos_loss = -jax.nn.log_sigmoid(jnp.sum(target_embeddings * context_embeddings, axis=1))
    neg_sample_embeddings = jnp.take(table, neg_idx, axis=0).reshape(B, K, D)
    scores = jnp.squeeze(jnp.matmul(neg_sample_embeddings, target_embeddings[:, :, None]), axis=-1)
    neg_loss = jnp.sum(-jax.nn.log_sigmoid(-scores), axis=1)
    loss = jnp.mean(pos_loss + neg_loss)
    return loss

# --- scband reference (transcript-rebuilt; emitter-appended) ---
"""Pipeline reference for scband-line1-36764920053931 (READ-ONLY COPY).

The authoritative reference and input builder live on the scoring server;
editing this copy changes nothing except your own understanding.
"""

import jax, jax.numpy as jnp
import numpy as np

NUM_NODES = 1000000
EMBED_DIM = 64
BATCH = 16384
K = 5

def setup_inputs(seed: int = 0) -> dict:
    key = jax.random.key(seed)
    k1, k2, k3 = jax.random.split(key, 3)
    batch = jax.random.randint(k1, (BATCH, 2), 0, NUM_NODES, dtype=jnp.int64 if jax.config.read('jax_enable_x64') else jnp.int32)
    table = jax.random.normal(k2, (NUM_NODES, EMBED_DIM), dtype=jnp.float32)
    # degrees ~ Uniform{1..100}; categorical params proportional to degree^0.75
    degrees = jax.random.randint(k3, (NUM_NODES,), 1, 100).astype(jnp.float32)
    cat = jnp.power(degrees, 0.75)
    probs = cat / jnp.sum(cat)
    return {"batch": batch, "table": table, "probs": probs}

def reference(batch, table, probs):
    B = batch.shape[0]
    D = table.shape[1]
    # positive part: dot product of source/target embeddings per edge
    target_embeddings = jnp.take(table, batch[:, 0], axis=0)
    context_embeddings = jnp.take(table, batch[:, 1], axis=0)
    pos_loss = -jax.nn.log_sigmoid(jnp.sum(target_embeddings * context_embeddings, axis=1))
    # negative sampling: K draws per source node from degree^0.75 categorical
    skey = jax.random.key(42)
    neg_idx = jax.random.categorical(skey, jnp.log(probs), shape=(B * K,))
    neg_sample_embeddings = jnp.take(table, neg_idx, axis=0).reshape(B, K, D)
    scores = jnp.squeeze(jnp.matmul(neg_sample_embeddings, target_embeddings[:, :, None]), axis=-1)
    neg_loss = jnp.sum(-jax.nn.log_sigmoid(-scores), axis=1)
    loss = jnp.mean(pos_loss + neg_loss)
    return loss

if __name__ == "__main__":
    import jax
    _d = setup_inputs()
    print(jax.jit(kernel)(*tuple(_d.values())))

</pallas_src>

<mosaic_0001>
module attributes {stable_mosaic.version = 14 : i64} {
  func.func @_sampler_kernel(%arg0: i32, %arg1: memref<992x1024xf32, #tpu.memory_space<vmem>>, %arg2: memref<1xi32, #tpu.memory_space<smem>>, %arg3: memref<1x1x128xi32, #tpu.memory_space<vmem>>) attributes {dimension_semantics = [#tpu.dimension_semantics<arbitrary>], iteration_bounds = array<i64: 81920>, scalar_prefetch = 0 : i64, scratch_operands = 0 : i64, tpu.core_type = #tpu.core_type<tc>, window_params = [{pipeline_mode = #tpu.pipeline_mode<synchronous>, transform_indices = @transform_0, window_bounds = array<i64: 992, 1024>}, {transform_indices = @transform_1, window_bounds = array<i64: 1>}, {transform_indices = @transform_2, window_bounds = array<i64: 1, 1, 128>}]} {
    %get3A = arith.constant 0 : index
    %get3A_0 = memref.load %arg2[%get3A] : memref<1xi32, #tpu.memory_space<smem>>
    %add3A = arith.addi %arg0, %get3A_0 : i32
    %mul3A = arith.constant 15625 : i32
    %mul3A_1 = arith.muli %add3A, %mul3A : i32
    %shift_left3A = arith.constant 6 : i32
    %shift_left3A_2 = arith.shli %mul3A_1, %shift_left3A : i32
    %shift_right_arithmetic3A = arith.constant 26 : i32
    %shift_right_arithmetic3A_3 = arith.shrsi %mul3A_1, %shift_right_arithmetic3A : i32
    %iota3A = tpu.iota {dimensions = array<i32: 0>} : vector<8x1024xi32>
    %iota3A_4 = tpu.iota {dimensions = array<i32: 1>} : vector<8x1024xi32>
    %mul3A_5 = arith.constant 1024 : i32
    %mul3A_6 = vector.broadcast %mul3A_5 : i32 to vector<8x1024xi32>
    %mul3A_7 = arith.muli %iota3A, %mul3A_6 : vector<8x1024xi32>
    %add3A_8 = arith.addi %mul3A_7, %iota3A_4 : vector<8x1024xi32>
    %broadcast_in_dim3A = arith.constant 2147483647 : i32
    %broadcast_in_dim3A_9 = vector.broadcast %broadcast_in_dim3A : i32 to vector<8x1024xi32>
    %scan3A = arith.constant 0 : i32
    %scan3A_10 = arith.constant 62 : i32
    %scan3A_11 = arith.addi %scan3A, %scan3A_10 : i32
    %scan3A_12 = arith.constant 1 : i32
    %scan3A_13 = scf.for %scan3A_35 = %scan3A to %scan3A_11 step %scan3A_12 iter_args(%scan3A_36 = %broadcast_in_dim3A_9) -> (vector<8x1024xi32>)  : i32 {
      %mul3A_37 = arith.constant 2 : i32
      %mul3A_38 = arith.muli %scan3A_35, %mul3A_37 : i32
      %mul3A_39 = arith.constant 8192 : i32
      %mul3A_40 = arith.muli %mul3A_38, %mul3A_39 : i32
      %add3A_41 = arith.addi %shift_left3A_2, %mul3A_40 : i32
      %xor3A = arith.constant -2147483648 : i32
      %xor3A_42 = arith.xori %add3A_41, %xor3A : i32
      %xor3A_43 = arith.constant -2147483648 : i32
      %xor3A_44 = arith.xori %shift_left3A_2, %xor3A_43 : i32
      %lt3A = arith.cmpi slt, %xor3A_42, %xor3A_44 : i32
      %convert_element_type3A = arith.extui %lt3A : i1 to i32
      %add3A_45 = arith.addi %shift_right_arithmetic3A_3, %convert_element_type3A : i32
      %add3A_46 = arith.constant 1 : i32
      %add3A_47 = arith.addi %add3A_45, %add3A_46 : i32
      %neg3A = arith.constant 0 : i32
      %neg3A_48 = arith.subi %neg3A, %add3A_41 : i32
      %gt3A = arith.constant 0 : i32
      %gt3A_49 = arith.cmpi sgt, %neg3A_48, %gt3A : i32
      %le3A = arith.constant 8192 : i32
      %le3A_50 = arith.cmpi sle, %neg3A_48, %le3A : i32
      %and3A_51 = arith.andi %gt3A_49, %le3A_50 : i1
      %jit3A_52 = arith.constant 8192 : i32
      %select_n3A_53 = arith.select %and3A_51, %neg3A_48, %jit3A_52 : i32
      %add3A_54 = arith.constant 42 : i32
      %add3A_55 = arith.addi %add3A_41, %add3A_54 : i32
      %add3A_56 = vector.broadcast %add3A_55 : i32 to vector<8x1024xi32>
      %add3A_57 = arith.addi %add3A_8, %add3A_56 : vector<8x1024xi32>
      %ge3A = vector.broadcast %select_n3A_53 : i32 to vector<8x1024xi32>
      %ge3A_58 = arith.cmpi sge, %add3A_8, %ge3A : vector<8x1024xi32>
      %broadcast_in_dim3A_59 = vector.broadcast %add3A_47 : i32 to vector<8x1024xi32>
      %broadcast_in_dim3A_60 = vector.broadcast %add3A_45 : i32 to vector<8x1024xi32>
      %select_n3A_61 = arith.select %ge3A_58, %broadcast_in_dim3A_59, %broadcast_in_dim3A_60 : vector<8x1024xi1>, vector<8x1024xi32>
      %add3A_62 = arith.addi %select_n3A_61, %add3A_57 : vector<8x1024xi32>
      %shift_left3A_63 = arith.constant 13 : i32
      %shift_left3A_64 = vector.broadcast %shift_left3A_63 : i32 to vector<8x1024xi32>
      %shift_left3A_65 = arith.shli %add3A_57, %shift_left3A_64 : vector<8x1024xi32>
      %shift_right_logical3A = arith.constant 19 : i32
      %shift_right_logical3A_66 = vector.broadcast %shift_right_logical3A : i32 to vector<8x1024xi32>
      %shift_right_logical3A_67 = arith.shrui %add3A_57, %shift_right_logical3A_66 : vector<8x1024xi32>
      %or3A = arith.ori %shift_left3A_65, %shift_right_logical3A_67 : vector<8x1024xi32>
      %xor3A_68 = arith.xori %or3A, %add3A_62 : vector<8x1024xi32>
      %add3A_69 = arith.addi %add3A_62, %xor3A_68 : vector<8x1024xi32>
      %shift_left3A_70 = arith.constant 15 : i32
      %shift_left3A_71 = vector.broadcast %shift_left3A_70 : i32 to vector<8x1024xi32>
      %shift_left3A_72 = arith.shli %xor3A_68, %shift_left3A_71 : vector<8x1024xi32>
      %shift_right_logical3A_73 = arith.constant 17 : i32
      %shift_right_logical3A_74 = vector.broadcast %shift_right_logical3A_73 : i32 to vector<8x1024xi32>
      %shift_right_logical3A_75 = arith.shrui %xor3A_68, %shift_right_logical3A_74 : vector<8x1024xi32>
      %or3A_76 = arith.ori %shift_left3A_72, %shift_right_logical3A_75 : vector<8x1024xi32>
      %xor3A_77 = arith.xori %or3A_76, %add3A_69 : vector<8x1024xi32>
      %add3A_78 = arith.addi %add3A_69, %xor3A_77 : vector<8x1024xi32>
      %shift_left3A_79 = arith.constant 26 : i32
      %shift_left3A_80 = vector.broadcast %shift_left3A_79 : i32 to vector<8x1024xi32>
      %shift_left3A_81 = arith.shli %xor3A_77, %shift_left3A_80 : vector<8x1024xi32>
      %shift_right_logical3A_82 = arith.constant 6 : i32
      %shift_right_logical3A_83 = vector.broadcast %shift_right_logical3A_82 : i32 to vector<8x1024xi32>
      %shift_right_logical3A_84 = arith.shrui %xor3A_77, %shift_right_logical3A_83 : vector<8x1024xi32>
      %or3A_85 = arith.ori %shift_left3A_81, %shift_right_logical3A_84 : vector<8x1024xi32>
      %xor3A_86 = arith.xori %or3A_85, %add3A_78 : vector<8x1024xi32>
      %add3A_87 = arith.addi %add3A_78, %xor3A_86 : vector<8x1024xi32>
      %shift_left3A_88 = arith.constant 6 : i32
      %shift_left3A_89 = vector.broadcast %shift_left3A_88 : i32 to vector<8x1024xi32>
      %shift_left3A_90 = arith.shli %xor3A_86, %shift_left3A_89 : vector<8x1024xi32>
      %shift_right_logical3A_91 = arith.constant 26 : i32
      %shift_right_logical3A_92 = vector.broadcast %shift_right_logical3A_91 : i32 to vector<8x1024xi32>
      %shift_right_logical3A_93 = arith.shrui %xor3A_86, %shift_right_logical3A_92 : vector<8x1024xi32>
      %or3A_94 = arith.ori %shift_left3A_90, %shift_right_logical3A_93 : vector<8x1024xi32>
      %xor3A_95 = arith.xori %or3A_94, %add3A_87 : vector<8x1024xi32>
      %add3A_96 = arith.constant 42 : i32
      %add3A_97 = vector.broadcast %add3A_96 : i32 to vector<8x1024xi32>
      %add3A_98 = arith.addi %add3A_87, %add3A_97 : vector<8x1024xi32>
      %add3A_99 = arith.constant 466689009 : i32
      %add3A_100 = vector.broadcast %add3A_99 : i32 to vector<8x1024xi32>
      %add3A_101 = arith.addi %xor3A_95, %add3A_100 : vector<8x1024xi32>
      %add3A_102 = arith.addi %add3A_98, %add3A_101 : vector<8x1024xi32>
      %shift_left3A_103 = arith.constant 17 : i32
      %shift_left3A_104 = vector.broadcast %shift_left3A_103 : i32 to vector<8x1024xi32>
      %shift_left3A_105 = arith.shli %add3A_101, %shift_left3A_104 : vector<8x1024xi32>
      %shift_right_logical3A_106 = arith.constant 15 : i32
      %shift_right_logical3A_107 = vector.broadcast %shift_right_logical3A_106 : i32 to vector<8x1024xi32>
      %shift_right_logical3A_108 = arith.shrui %add3A_101, %shift_right_logical3A_107 : vector<8x1024xi32>
      %or3A_109 = arith.ori %shift_left3A_105, %shift_right_logical3A_108 : vector<8x1024xi32>
      %xor3A_110 = arith.xori %or3A_109, %add3A_102 : vector<8x1024xi32>
      %add3A_111 = arith.addi %add3A_102, %xor3A_110 : vector<8x1024xi32>
      %shift_left3A_112 = arith.constant 29 : i32
      %shift_left3A_113 = vector.broadcast %shift_left3A_112 : i32 to vector<8x1024xi32>
      %shift_left3A_114 = arith.shli %xor3A_110, %shift_left3A_113 : vector<8x1024xi32>
      %shift_right_logical3A_115 = arith.constant 3 : i32
      %shift_right_logical3A_116 = vector.broadcast %shift_right_logical3A_115 : i32 to vector<8x1024xi32>
      %shift_right_logical3A_117 = arith.shrui %xor3A_110, %shift_right_logical3A_116 : vector<8x1024xi32>
      %or3A_118 = arith.ori %shift_left3A_114, %shift_right_logical3A_117 : vector<8x1024xi32>
      %xor3A_119 = arith.xori %or3A_118, %add3A_111 : vector<8x1024xi32>
      %add3A_120 = arith.addi %add3A_111, %xor3A_119 : vector<8x1024xi32>
      %shift_left3A_121 = arith.constant 16 : i32
      %shift_left3A_122 = vector.broadcast %shift_left3A_121 : i32 to vector<8x1024xi32>
      %shift_left3A_123 = arith.shli %xor3A_119, %shift_left3A_122 : vector<8x1024xi32>
      %shift_right_logical3A_124 = arith.constant 16 : i32
      %shift_right_logical3A_125 = vector.broadcast %shift_right_logical3A_124 : i32 to vector<8x1024xi32>
      %shift_right_logical3A_126 = arith.shrui %xor3A_119, %shift_right_logical3A_125 : vector<8x1024xi32>
      %or3A_127 = arith.ori %shift_left3A_123, %shift_right_logical3A_126 : vector<8x1024xi32>
      %xor3A_128 = arith.xori %or3A_127, %add3A_120 : vector<8x1024xi32>
      %add3A_129 = arith.addi %add3A_120, %xor3A_128 : vector<8x1024xi32>
      %shift_left3A_130 = arith.constant 24 : i32
      %shift_left3A_131 = vector.broadcast %shift_left3A_130 : i32 to vector<8x1024xi32>
      %shift_left3A_132 = arith.shli %xor3A_128, %shift_left3A_131 : vector<8x1024xi32>
      %shift_right_logical3A_133 = arith.constant 8 : i32
      %shift_right_logical3A_134 = vector.broadcast %shift_right_logical3A_133 : i32 to vector<8x1024xi32>
      %shift_right_logical3A_135 = arith.shrui %xor3A_128, %shift_right_logical3A_134 : vector<8x1024xi32>
      %or3A_136 = arith.ori %shift_left3A_132, %shift_right_logical3A_135 : vector<8x1024xi32>
      %xor3A_137 = arith.xori %or3A_136, %add3A_129 : vector<8x1024xi32>
      %add3A_138 = arith.constant 466689008 : i32
      %add3A_139 = vector.broadcast %add3A_138 : i32 to vector<8x1024xi32>
      %add3A_140 = arith.addi %add3A_129, %add3A_139 : vector<8x1024xi32>
      %add3A_141 = arith.constant 2 : i32
      %add3A_142 = vector.broadcast %add3A_141 : i32 to vector<8x1024xi32>
      %add3A_143 = arith.addi %xor3A_137, %add3A_142 : vector<8x1024xi32>
      %add3A_144 = arith.addi %add3A_140, %add3A_143 : vector<8x1024xi32>
      %shift_left3A_145 = arith.constant 13 : i32
      %shift_left3A_146 = vector.broadcast %shift_left3A_145 : i32 to vector<8x1024xi32>
      %shift_left3A_147 = arith.shli %add3A_143, %shift_left3A_146 : vector<8x1024xi32>
      %shift_right_logical3A_148 = arith.constant 19 : i32
      %shift_right_logical3A_149 = vector.broadcast %shift_right_logical3A_148 : i32 to vector<8x1024xi32>
      %shift_right_logical3A_150 = arith.shrui %add3A_143, %shift_right_logical3A_149 : vector<8x1024xi32>
      %or3A_151 = arith.ori %shift_left3A_147, %shift_right_logical3A_150 : vector<8x1024xi32>
      %xor3A_152 = arith.xori %or3A_151, %add3A_144 : vector<8x1024xi32>
      %add3A_153 = arith.addi %add3A_144, %xor3A_152 : vector<8x1024xi32>
      %shift_left3A_154 = arith.constant 15 : i32
      %shift_left3A_155 = vector.broadcast %shift_left3A_154 : i32 to vector<8x1024xi32>
      %shift_left3A_156 = arith.shli %xor3A_152, %shift_left3A_155 : vector<8x1024xi32>
      %shift_right_logical3A_157 = arith.constant 17 : i32
      %shift_right_logical3A_158 = vector.broadcast %shift_right_logical3A_157 : i32 to vector<8x1024xi32>
      %shift_right_logical3A_159 = arith.shrui %xor3A_152, %shift_right_logical3A_158 : vector<8x1024xi32>
      %or3A_160 = arith.ori %shift_left3A_156, %shift_right_logical3A_159 : vector<8x1024xi32>
      %xor3A_161 = arith.xori %or3A_160, %add3A_153 : vector<8x1024xi32>
      %add3A_162 = arith.addi %add3A_153, %xor3A_161 : vector<8x1024xi32>
      %shift_left3A_163 = arith.constant 26 : i32
      %shift_left3A_164 = vector.broadcast %shift_left3A_163 : i32 to vector<8x1024xi32>
      %shift_left3A_165 = arith.shli %xor3A_161, %shift_left3A_164 : vector<8x1024xi32>
      %shift_right_logical3A_166 = arith.constant 6 : i32
      %shift_right_logical3A_167 = vector.broadcast %shift_right_logical3A_166 : i32 to vector<8x1024xi32>
      %shift_right_logical3A_168 = arith.shrui %xor3A_161, %shift_right_logical3A_167 : vector<8x1024xi32>
      %or3A_169 = arith.ori %shift_left3A_165, %shift_right_logical3A_168 : vector<8x1024xi32>
      %xor3A_170 = arith.xori %or3A_169, %add3A_162 : vector<8x1024xi32>
      %add3A_171 = arith.addi %add3A_162, %xor3A_170 : vector<8x1024xi32>
      %shift_left3A_172 = arith.constant 6 : i32
      %shift_left3A_173 = vector.broadcast %shift_left3A_172 : i32 to vector<8x1024xi32>
      %shift_left3A_174 = arith.shli %xor3A_170, %shift_left3A_173 : vector<8x1024xi32>
      %shift_right_logical3A_175 = arith.constant 26 : i32
      %shift_right_logical3A_176 = vector.broadcast %shift_right_logical3A_175 : i32 to vector<8x1024xi32>
      %shift_right_logical3A_177 = arith.shrui %xor3A_170, %shift_right_logical3A_176 : vector<8x1024xi32>
      %or3A_178 = arith.ori %shift_left3A_174, %shift_right_logical3A_177 : vector<8x1024xi32>
      %xor3A_179 = arith.xori %or3A_178, %add3A_171 : vector<8x1024xi32>
      %add3A_180 = arith.constant 45 : i32
      %add3A_181 = vector.broadcast %add3A_180 : i32 to vector<8x1024xi32>
      %add3A_182 = arith.addi %xor3A_179, %add3A_181 : vector<8x1024xi32>
      %add3A_183 = arith.addi %add3A_171, %add3A_182 : vector<8x1024xi32>
      %shift_left3A_184 = arith.constant 17 : i32
      %shift_left3A_185 = vector.broadcast %shift_left3A_184 : i32 to vector<8x1024xi32>
      %shift_left3A_186 = arith.shli %add3A_182, %shift_left3A_185 : vector<8x1024xi32>
      %shift_right_logical3A_187 = arith.constant 15 : i32
      %shift_right_logical3A_188 = vector.broadcast %shift_right_logical3A_187 : i32 to vector<8x1024xi32>
      %shift_right_logical3A_189 = arith.shrui %add3A_182, %shift_right_logical3A_188 : vector<8x1024xi32>
      %or3A_190 = arith.ori %shift_left3A_186, %shift_right_logical3A_189 : vector<8x1024xi32>
      %xor3A_191 = arith.xori %or3A_190, %add3A_183 : vector<8x1024xi32>
      %add3A_192 = arith.addi %add3A_183, %xor3A_191 : vector<8x1024xi32>
      %shift_left3A_193 = arith.constant 29 : i32
      %shift_left3A_194 = vector.broadcast %shift_left3A_193 : i32 to vector<8x1024xi32>
      %shift_left3A_195 = arith.shli %xor3A_191, %shift_left3A_194 : vector<8x1024xi32>
      %shift_right_logical3A_196 = arith.constant 3 : i32
      %shift_right_logical3A_197 = vector.broadcast %shift_right_logical3A_196 : i32 to vector<8x1024xi32>
      %shift_right_logical3A_198 = arith.shrui %xor3A_191, %shift_right_logical3A_197 : vector<8x1024xi32>
      %or3A_199 = arith.ori %shift_left3A_195, %shift_right_logical3A_198 : vector<8x1024xi32>
      %xor3A_200 = arith.xori %or3A_199, %add3A_192 : vector<8x1024xi32>
      %add3A_201 = arith.addi %add3A_192, %xor3A_200 : vector<8x1024xi32>
      %shift_left3A_202 = arith.constant 16 : i32
      %shift_left3A_203 = vector.broadcast %shift_left3A_202 : i32 to vector<8x1024xi32>
      %shift_left3A_204 = arith.shli %xor3A_200, %shift_left3A_203 : vector<8x1024xi32>
      %shift_right_logical3A_205 = arith.constant 16 : i32
      %shift_right_logical3A_206 = vector.broadcast %shift_right_logical3A_205 : i32 to vector<8x1024xi32>
      %shift_right_logical3A_207 = arith.shrui %xor3A_200, %shift_right_logical3A_206 : vector<8x1024xi32>
      %or3A_208 = arith.ori %shift_left3A_204, %shift_right_logical3A_207 : vector<8x1024xi32>
      %xor3A_209 = arith.xori %or3A_208, %add3A_201 : vector<8x1024xi32>
      %add3A_210 = arith.addi %add3A_201, %xor3A_209 : vector<8x1024xi32>
      %shift_left3A_211 = arith.constant 24 : i32
      %shift_left3A_212 = vector.broadcast %shift_left3A_211 : i32 to vector<8x1024xi32>
      %shift_left3A_213 = arith.shli %xor3A_209, %shift_left3A_212 : vector<8x1024xi32>
      %shift_right_logical3A_214 = arith.constant 8 : i32
      %shift_right_logical3A_215 = vector.broadcast %shift_right_logical3A_214 : i32 to vector<8x1024xi32>
      %shift_right_logical3A_216 = arith.shrui %xor3A_209, %shift_right_logical3A_215 : vector<8x1024xi32>
      %or3A_217 = arith.ori %shift_left3A_213, %shift_right_logical3A_216 : vector<8x1024xi32>
      %xor3A_218 = arith.xori %or3A_217, %add3A_210 : vector<8x1024xi32>
      %add3A_219 = arith.constant 42 : i32
      %add3A_220 = vector.broadcast %add3A_219 : i32 to vector<8x1024xi32>
      %add3A_221 = arith.addi %add3A_210, %add3A_220 : vector<8x1024xi32>
      %add3A_222 = arith.constant 466689012 : i32
      %add3A_223 = vector.broadcast %add3A_222 : i32 to vector<8x1024xi32>
      %add3A_224 = arith.addi %xor3A_218, %add3A_223 : vector<8x1024xi32>
      %add3A_225 = arith.addi %add3A_221, %add3A_224 : vector<8x1024xi32>
      %shift_left3A_226 = arith.constant 13 : i32
      %shift_left3A_227 = vector.broadcast %shift_left3A_226 : i32 to vector<8x1024xi32>
      %shift_left3A_228 = arith.shli %add3A_224, %shift_left3A_227 : vector<8x1024xi32>
      %shift_right_logical3A_229 = arith.constant 19 : i32
      %shift_right_logical3A_230 = vector.broadcast %shift_right_logical3A_229 : i32 to vector<8x1024xi32>
      %shift_right_logical3A_231 = arith.shrui %add3A_224, %shift_right_logical3A_230 : vector<8x1024xi32>
      %or3A_232 = arith.ori %shift_left3A_228, %shift_right_logical3A_231 : vector<8x1024xi32>
      %xor3A_233 = arith.xori %or3A_232, %add3A_225 : vector<8x1024xi32>
      %add3A_234 = arith.addi %add3A_225, %xor3A_233 : vector<8x1024xi32>
      %shift_left3A_235 = arith.constant 15 : i32
      %shift_left3A_236 = vector.broadcast %shift_left3A_235 : i32 to vector<8x1024xi32>
      %shift_left3A_237 = arith.shli %xor3A_233, %shift_left3A_236 : vector<8x1024xi32>
      %shift_right_logical3A_238 = arith.constant 17 : i32
      %shift_right_logical3A_239 = vector.broadcast %shift_right_logical3A_238 : i32 to vector<8x1024xi32>
      %shift_right_logical3A_240 = arith.shrui %xor3A_233, %shift_right_logical3A_239 : vector<8x1024xi32>
      %or3A_241 = arith.ori %shift_left3A_237, %shift_right_logical3A_240 : vector<8x1024xi32>
      %xor3A_242 = arith.xori %or3A_241, %add3A_234 : vector<8x1024xi32>
      %add3A_243 = arith.addi %add3A_234, %xor3A_242 : vector<8x1024xi32>
      %shift_left3A_244 = arith.constant 26 : i32
      %shift_left3A_245 = vector.broadcast %shift_left3A_244 : i32 to vector<8x1024xi32>
      %shift_left3A_246 = arith.shli %xor3A_242, %shift_left3A_245 : vector<8x1024xi32>
      %shift_right_logical3A_247 = arith.constant 6 : i32
      %shift_right_logical3A_248 = vector.broadcast %shift_right_logical3A_247 : i32 to vector<8x1024xi32>
      %shift_right_logical3A_249 = arith.shrui %xor3A_242, %shift_right_logical3A_248 : vector<8x1024xi32>
      %or3A_250 = arith.ori %shift_left3A_246, %shift_right_logical3A_249 : vector<8x1024xi32>
      %xor3A_251 = arith.xori %or3A_250, %add3A_243 : vector<8x1024xi32>
      %add3A_252 = arith.addi %add3A_243, %xor3A_251 : vector<8x1024xi32>
      %shift_left3A_253 = arith.constant 6 : i32
      %shift_left3A_254 = vector.broadcast %shift_left3A_253 : i32 to vector<8x1024xi32>
      %shift_left3A_255 = arith.shli %xor3A_251, %shift_left3A_254 : vector<8x1024xi32>
      %shift_right_logical3A_256 = arith.constant 26 : i32
      %shift_right_logical3A_257 = vector.broadcast %shift_right_logical3A_256 : i32 to vector<8x1024xi32>
      %shift_right_logical3A_258 = arith.shrui %xor3A_251, %shift_right_logical3A_257 : vector<8x1024xi32>
      %or3A_259 = arith.ori %shift_left3A_255, %shift_right_logical3A_258 : vector<8x1024xi32>
      %xor3A_260 = arith.xori %or3A_259, %add3A_252 : vector<8x1024xi32>
      %add3A_261 = arith.constant 466689008 : i32
      %add3A_262 = vector.broadcast %add3A_261 : i32 to vector<8x1024xi32>
      %add3A_263 = arith.addi %add3A_252, %add3A_262 : vector<8x1024xi32>
      %add3A_264 = arith.constant 5 : i32
      %add3A_265 = vector.broadcast %add3A_264 : i32 to vector<8x1024xi32>
      %add3A_266 = arith.addi %xor3A_260, %add3A_265 : vector<8x1024xi32>
      %xor3A_267 = arith.xori %add3A_263, %add3A_266 : vector<8x1024xi32>
      %shift_right_logical3A_268 = arith.constant 9 : i32
      %shift_right_logical3A_269 = vector.broadcast %shift_right_logical3A_268 : i32 to vector<8x1024xi32>
      %shift_right_logical3A_270 = arith.shrui %xor3A_267, %shift_right_logical3A_269 : vector<8x1024xi32>
      %or3A_271 = arith.constant 1065353216 : i32
      %or3A_272 = vector.broadcast %or3A_271 : i32 to vector<8x1024xi32>
      %or3A_273 = arith.ori %shift_right_logical3A_270, %or3A_272 : vector<8x1024xi32>
      %bitcast_convert_type3A = tpu.bitcast %or3A_273 : vector<8x1024xi32> -> vector<8x1024xf32>
      %sub3A = arith.constant 1.000000e+00 : f32
      %sub3A_274 = vector.broadcast %sub3A : f32 to vector<8x1024xf32>
      %sub3A_275 = arith.subf %bitcast_convert_type3A, %sub3A_274 : vector<8x1024xf32>
      %mul3A_276 = arith.constant 8 : i32
      %mul3A_277 = arith.muli %mul3A_38, %mul3A_276 : i32
      %get3A_278 = arith.index_cast %mul3A_277 : i32 to index
      %get3A_279 = arith.constant 0 : index
      %get3A_280 = vector.load %arg1[%get3A_278, %get3A_279] : memref<992x1024xf32, #tpu.memory_space<vmem>>, vector<8x1024xf32>
      %log3A = math.log %sub3A_275 : vector<8x1024xf32>
      %log3A_281 = arith.constant 2.000000e+00 : f32
      %log3A_282 = math.log %log3A_281 : f32
      %div3A = vector.broadcast %log3A_282 : f32 to vector<8x1024xf32>
      %div3A_283 = arith.divf %log3A, %div3A : vector<8x1024xf32>
      %mul3A_284 = arith.mulf %div3A_283, %get3A_280 : vector<8x1024xf32>
      %bitcast_convert_type3A_285 = tpu.bitcast %mul3A_284 : vector<8x1024xf32> -> vector<8x1024xi32>
      %and3A_286 = arith.constant -128 : i32
      %and3A_287 = vector.broadcast %and3A_286 : i32 to vector<8x1024xi32>
      %and3A_288 = arith.andi %bitcast_convert_type3A_285, %and3A_287 : vector<8x1024xi32>
      %or3A_289 = vector.broadcast %mul3A_38 : i32 to vector<8x1024xi32>
      %or3A_290 = arith.ori %and3A_288, %or3A_289 : vector<8x1024xi32>
      %add3A_291 = arith.constant 1 : i32
      %add3A_292 = arith.addi %mul3A_38, %add3A_291 : i32
      %mul3A_293 = arith.constant 8192 : i32
      %mul3A_294 = arith.muli %add3A_292, %mul3A_293 : i32
      %add3A_295 = arith.addi %shift_left3A_2, %mul3A_294 : i32
      %xor3A_296 = arith.constant -2147483648 : i32
      %xor3A_297 = arith.xori %add3A_295, %xor3A_296 : i32
      %xor3A_298 = arith.constant -2147483648 : i32
      %xor3A_299 = arith.xori %shift_left3A_2, %xor3A_298 : i32
      %lt3A_300 = arith.cmpi slt, %xor3A_297, %xor3A_299 : i32
      %convert_element_type3A_301 = arith.extui %lt3A_300 : i1 to i32
      %add3A_302 = arith.addi %shift_right_arithmetic3A_3, %convert_element_type3A_301 : i32
      %add3A_303 = arith.constant 1 : i32
      %add3A_304 = arith.addi %add3A_302, %add3A_303 : i32
      %neg3A_305 = arith.constant 0 : i32
      %neg3A_306 = arith.subi %neg3A_305, %add3A_295 : i32
      %gt3A_307 = arith.constant 0 : i32
      %gt3A_308 = arith.cmpi sgt, %neg3A_306, %gt3A_307 : i32
      %le3A_309 = arith.constant 8192 : i32
      %le3A_310 = arith.cmpi sle, %neg3A_306, %le3A_309 : i32
      %and3A_311 = arith.andi %gt3A_308, %le3A_310 : i1
      %jit3A_312 = arith.constant 8192 : i32
      %select_n3A_313 = arith.select %and3A_311, %neg3A_306, %jit3A_312 : i32
      %add3A_314 = arith.constant 42 : i32
      %add3A_315 = arith.addi %add3A_295, %add3A_314 : i32
      %add3A_316 = vector.broadcast %add3A_315 : i32 to vector<8x1024xi32>
      %add3A_317 = arith.addi %add3A_8, %add3A_316 : vector<8x1024xi32>
      %ge3A_318 = vector.broadcast %select_n3A_313 : i32 to vector<8x1024xi32>
      %ge3A_319 = arith.cmpi sge, %add3A_8, %ge3A_318 : vector<8x1024xi32>
      %broadcast_in_dim3A_320 = vector.broadcast %add3A_304 : i32 to vector<8x1024xi32>
      %broadcast_in_dim3A_321 = vector.broadcast %add3A_302 : i32 to vector<8x1024xi32>
      %select_n3A_322 = arith.select %ge3A_319, %broadcast_in_dim3A_320, %broadcast_in_dim3A_321 : vector<8x1024xi1>, vector<8x1024xi32>
      %add3A_323 = arith.addi %select_n3A_322, %add3A_317 : vector<8x1024xi32>
      %shift_left3A_324 = arith.constant 13 : i32
      %shift_left3A_325 = vector.broadcast %shift_left3A_324 : i32 to vector<8x1024xi32>
      %shift_left3A_326 = arith.shli %add3A_317, %shift_left3A_325 : vector<8x1024xi32>
      %shift_right_logical3A_327 = arith.constant 19 : i32
      %shift_right_logical3A_328 = vector.broadcast %shift_right_logical3A_327 : i32 to vector<8x1024xi32>
      %shift_right_logical3A_329 = arith.shrui %add3A_317, %shift_right_logical3A_328 : vector<8x1024xi32>
      %or3A_330 = arith.ori %shift_left3A_326, %shift_right_logical3A_329 : vector<8x1024xi32>
      %xor3A_331 = arith.xori %or3A_330, %add3A_323 : vector<8x1024xi32>
      %add3A_332 = arith.addi %add3A_323, %xor3A_331 : vector<8x1024xi32>
      %shift_left3A_333 = arith.constant 15 : i32
      %shift_left3A_334 = vector.broadcast %shift_left3A_333 : i32 to vector<8x1024xi32>
      %shift_left3A_335 = arith.shli %xor3A_331, %shift_left3A_334 : vector<8x1024xi32>
      %shift_right_logical3A_336 = arith.constant 17 : i32
      %shift_right_logical3A_337 = vector.broadcast %shift_right_logical3A_336 : i32 to vector<8x1024xi32>
      %shift_right_logical3A_338 = arith.shrui %xor3A_331, %shift_right_logical3A_337 : vector<8x1024xi32>
      %or3A_339 = arith.ori %shift_left3A_335, %shift_right_logical3A_338 : vector<8x1024xi32>
      %xor3A_340 = arith.xori %or3A_339, %add3A_332 : vector<8x1024xi32>
      %add3A_341 = arith.addi %add3A_332, %xor3A_340 : vector<8x1024xi32>
      %shift_left3A_342 = arith.constant 26 : i32
      %shift_left3A_343 = vector.broadcast %shift_left3A_342 : i32 to vector<8x1024xi32>
      %shift_left3A_344 = arith.shli %xor3A_340, %shift_left3A_343 : vector<8x1024xi32>
      %shift_right_logical3A_345 = arith.constant 6 : i32
      %shift_right_logical3A_346 = vector.broadcast %shift_right_logical3A_345 : i32 to vector<8x1024xi32>
      %shift_right_logical3A_347 = arith.shrui %xor3A_340, %shift_right_logical3A_346 : vector<8x1024xi32>
      %or3A_348 = arith.ori %shift_left3A_344, %shift_right_logical3A_347 : vector<8x1024xi32>
      %xor3A_349 = arith.xori %or3A_348, %add3A_341 : vector<8x1024xi32>
      %add3A_350 = arith.addi %add3A_341, %xor3A_349 : vector<8x1024xi32>
      %shift_left3A_351 = arith.constant 6 : i32
      %shift_left3A_352 = vector.broadcast %shift_left3A_351 : i32 to vector<8x1024xi32>
      %shift_left3A_353 = arith.shli %xor3A_349, %shift_left3A_352 : vector<8x1024xi32>
      %shift_right_logical3A_354 = arith.constant 26 : i32
      %shift_right_logical3A_355 = vector.broadcast %shift_right_logical3A_354 : i32 to vector<8x1024xi32>
      %shift_right_logical3A_356 = arith.shrui %xor3A_349, %shift_right_logical3A_355 : vector<8x1024xi32>
      %or3A_357 = arith.ori %shift_left3A_353, %shift_right_logical3A_356 : vector<8x1024xi32>
      %xor3A_358 = arith.xori %or3A_357, %add3A_350 : vector<8x1024xi32>
      %add3A_359 = arith.constant 42 : i32
      %add3A_360 = vector.broadcast %add3A_359 : i32 to vector<8x1024xi32>
      %add3A_361 = arith.addi %add3A_350, %add3A_360 : vector<8x1024xi32>
      %add3A_362 = arith.constant 466689009 : i32
      %add3A_363 = vector.broadcast %add3A_362 : i32 to vector<8x1024xi32>
      %add3A_364 = arith.addi %xor3A_358, %add3A_363 : vector<8x1024xi32>
      %add3A_365 = arith.addi %add3A_361, %add3A_364 : vector<8x1024xi32>
      %shift_left3A_366 = arith.constant 17 : i32
      %shift_left3A_367 = vector.broadcast %shift_left3A_366 : i32 to vector<8x1024xi32>
      %shift_left3A_368 = arith.shli %add3A_364, %shift_left3A_367 : vector<8x1024xi32>
      %shift_right_logical3A_369 = arith.constant 15 : i32
      %shift_right_logical3A_370 = vector.broadcast %shift_right_logical3A_369 : i32 to vector<8x1024xi32>
      %shift_right_logical3A_371 = arith.shrui %add3A_364, %shift_right_logical3A_370 : vector<8x1024xi32>
      %or3A_372 = arith.ori %shift_left3A_368, %shift_right_logical3A_371 : vector<8x1024xi32>
      %xor3A_373 = arith.xori %or3A_372, %add3A_365 : vector<8x1024xi32>
      %add3A_374 = arith.addi %add3A_365, %xor3A_373 : vector<8x1024xi32>
      %shift_left3A_375 = arith.constant 29 : i32
      %shift_left3A_376 = vector.broadcast %shift_left3A_375 : i32 to vector<8x1024xi32>
      %shift_left3A_377 = arith.shli %xor3A_373, %shift_left3A_376 : vector<8x1024xi32>
      %shift_right_logical3A_378 = arith.constant 3 : i32
      %shift_right_logical3A_379 = vector.broadcast %shift_right_logical3A_378 : i32 to vector<8x1024xi32>
      %shift_right_logical3A_380 = arith.shrui %xor3A_373, %shift_right_logical3A_379 : vector<8x1024xi32>
      %or3A_381 = arith.ori %shift_left3A_377, %shift_right_logical3A_380 : vector<8x1024xi32>
      %xor3A_382 = arith.xori %or3A_381, %add3A_374 : vector<8x1024xi32>
      %add3A_383 = arith.addi %add3A_374, %xor3A_382 : vector<8x1024xi32>
      %shift_left3A_384 = arith.constant 16 : i32
      %shift_left3A_385 = vector.broadcast %shift_left3A_384 : i32 to vector<8x1024xi32>
      %shift_left3A_386 = arith.shli %xor3A_382, %shift_left3A_385 : vector<8x1024xi32>
      %shift_right_logical3A_387 = arith.constant 16 : i32
      %shift_right_logical3A_388 = vector.broadcast %shift_right_logical3A_387 : i32 to vector<8x1024xi32>
      %shift_right_logical3A_389 = arith.shrui %xor3A_382, %shift_right_logical3A_388 : vector<8x1024xi32>
      %or3A_390 = arith.ori %shift_left3A_386, %shift_right_logical3A_389 : vector<8x1024xi32>
      %xor3A_391 = arith.xori %or3A_390, %add3A_383 : vector<8x1024xi32>
      %add3A_392 = arith.addi %add3A_383, %xor3A_391 : vector<8x1024xi32>
      %shift_left3A_393 = arith.constant 24 : i32
      %shift_left3A_394 = vector.broadcast %shift_left3A_393 : i32 to vector<8x1024xi32>
      %shift_left3A_395 = arith.shli %xor3A_391, %shift_left3A_394 : vector<8x1024xi32>
      %shift_right_logical3A_396 = arith.constant 8 : i32
      %shift_right_logical3A_397 = vector.broadcast %shift_right_logical3A_396 : i32 to vector<8x1024xi32>
      %shift_right_logical3A_398 = arith.shrui %xor3A_391, %shift_right_logical3A_397 : vector<8x1024xi32>
      %or3A_399 = arith.ori %shift_left3A_395, %shift_right_logical3A_398 : vector<8x1024xi32>
      %xor3A_400 = arith.xori %or3A_399, %add3A_392 : vector<8x1024xi32>
      %add3A_401 = arith.constant 466689008 : i32
      %add3A_402 = vector.broadcast %add3A_401 : i32 to vector<8x1024xi32>
      %add3A_403 = arith.addi %add3A_392, %add3A_402 : vector<8x1024xi32>
      %add3A_404 = arith.constant 2 : i32
      %add3A_405 = vector.broadcast %add3A_404 : i32 to vector<8x1024xi32>
      %add3A_406 = arith.addi %xor3A_400, %add3A_405 : vector<8x1024xi32>
      %add3A_407 = arith.addi %add3A_403, %add3A_406 : vector<8x1024xi32>
      %shift_left3A_408 = arith.constant 13 : i32
      %shift_left3A_409 = vector.broadcast %shift_left3A_408 : i32 to vector<8x1024xi32>
      %shift_left3A_410 = arith.shli %add3A_406, %shift_left3A_409 : vector<8x1024xi32>
      %shift_right_logical3A_411 = arith.constant 19 : i32
      %shift_right_logical3A_412 = vector.broadcast %shift_right_logical3A_411 : i32 to vector<8x1024xi32>
      %shift_right_logical3A_413 = arith.shrui %add3A_406, %shift_right_logical3A_412 : vector<8x1024xi32>
      %or3A_414 = arith.ori %shift_left3A_410, %shift_right_logical3A_413 : vector<8x1024xi32>
      %xor3A_415 = arith.xori %or3A_414, %add3A_407 : vector<8x1024xi32>
      %add3A_416 = arith.addi %add3A_407, %xor3A_415 : vector<8x1024xi32>
      %shift_left3A_417 = arith.constant 15 : i32
      %shift_left3A_418 = vector.broadcast %shift_left3A_417 : i32 to vector<8x1024xi32>
      %shift_left3A_419 = arith.shli %xor3A_415, %shift_left3A_418 : vector<8x1024xi32>
      %shift_right_logical3A_420 = arith.constant 17 : i32
      %shift_right_logical3A_421 = vector.broadcast %shift_right_logical3A_420 : i32 to vector<8x1024xi32>
      %shift_right_logical3A_422 = arith.shrui %xor3A_415, %shift_right_logical3A_421 : vector<8x1024xi32>
      %or3A_423 = arith.ori %shift_left3A_419, %shift_right_logical3A_422 : vector<8x1024xi32>
      %xor3A_424 = arith.xori %or3A_423, %add3A_416 : vector<8x1024xi32>
      %add3A_425 = arith.addi %add3A_416, %xor3A_424 : vector<8x1024xi32>
      %shift_left3A_426 = arith.constant 26 : i32
      %shift_left3A_427 = vector.broadcast %shift_left3A_426 : i32 to vector<8x1024xi32>
      %shift_left3A_428 = arith.shli %xor3A_424, %shift_left3A_427 : vector<8x1024xi32>
      %shift_right_logical3A_429 = arith.constant 6 : i32
      %shift_right_logical3A_430 = vector.broadcast %shift_right_logical3A_429 : i32 to vector<8x1024xi32>
      %shift_right_logical3A_431 = arith.shrui %xor3A_424, %shift_right_logical3A_430 : vector<8x1024xi32>
      %or3A_432 = arith.ori %shift_left3A_428, %shift_right_logical3A_431 : vector<8x1024xi32>
      %xor3A_433 = arith.xori %or3A_432, %add3A_425 : vector<8x1024xi32>
      %add3A_434 = arith.addi %add3A_425, %xor3A_433 : vector<8x1024xi32>
      %shift_left3A_435 = arith.constant 6 : i32
      %shift_left3A_436 = vector.broadcast %shift_left3A_435 : i32 to vector<8x1024xi32>
      %shift_left3A_437 = arith.shli %xor3A_433, %shift_left3A_436 : vector<8x1024xi32>
      %shift_right_logical3A_438 = arith.constant 26 : i32
      %shift_right_logical3A_439 = vector.broadcast %shift_right_logical3A_438 : i32 to vector<8x1024xi32>
      %shift_right_logical3A_440 = arith.shrui %xor3A_433, %shift_right_logical3A_439 : vector<8x1024xi32>
      %or3A_441 = arith.ori %shift_left3A_437, %shift_right_logical3A_440 : vector<8x1024xi32>
      %xor3A_442 = arith.xori %or3A_441, %add3A_434 : vector<8x1024xi32>
      %add3A_443 = arith.constant 45 : i32
      %add3A_444 = vector.broadcast %add3A_443 : i32 to vector<8x1024xi32>
      %add3A_445 = arith.addi %xor3A_442, %add3A_444 : vector<8x1024xi32>
      %add3A_446 = arith.addi %add3A_434, %add3A_445 : vector<8x1024xi32>
      %shift_left3A_447 = arith.constant 17 : i32
      %shift_left3A_448 = vector.broadcast %shift_left3A_447 : i32 to vector<8x1024xi32>
      %shift_left3A_449 = arith.shli %add3A_445, %shift_left3A_448 : vector<8x1024xi32>
      %shift_right_logical3A_450 = arith.constant 15 : i32
      %shift_right_logical3A_451 = vector.broadcast %shift_right_logical3A_450 : i32 to vector<8x1024xi32>
      %shift_right_logical3A_452 = arith.shrui %add3A_445, %shift_right_logical3A_451 : vector<8x1024xi32>
      %or3A_453 = arith.ori %shift_left3A_449, %shift_right_logical3A_452 : vector<8x1024xi32>
      %xor3A_454 = arith.xori %or3A_453, %add3A_446 : vector<8x1024xi32>
      %add3A_455 = arith.addi %add3A_446, %xor3A_454 : vector<8x1024xi32>
      %shift_left3A_456 = arith.constant 29 : i32
      %shift_left3A_457 = vector.broadcast %shift_left3A_456 : i32 to vector<8x1024xi32>
      %shift_left3A_458 = arith.shli %xor3A_454, %shift_left3A_457 : vector<8x1024xi32>
      %shift_right_logical3A_459 = arith.constant 3 : i32
      %shift_right_logical3A_460 = vector.broadcast %shift_right_logical3A_459 : i32 to vector<8x1024xi32>
      %shift_right_logical3A_461 = arith.shrui %xor3A_454, %shift_right_logical3A_460 : vector<8x1024xi32>
      %or3A_462 = arith.ori %shift_left3A_458, %shift_right_logical3A_461 : vector<8x1024xi32>
      %xor3A_463 = arith.xori %or3A_462, %add3A_455 : vector<8x1024xi32>
      %add3A_464 = arith.addi %add3A_455, %xor3A_463 : vector<8x1024xi32>
      %shift_left3A_465 = arith.constant 16 : i32
      %shift_left3A_466 = vector.broadcast %shift_left3A_465 : i32 to vector<8x1024xi32>
      %shift_left3A_467 = arith.shli %xor3A_463, %shift_left3A_466 : vector<8x1024xi32>
      %shift_right_logical3A_468 = arith.constant 16 : i32
      %shift_right_logical3A_469 = vector.broadcast %shift_right_logical3A_468 : i32 to vector<8x1024xi32>
      %shift_right_logical3A_470 = arith.shrui %xor3A_463, %shift_right_logical3A_469 : vector<8x1024xi32>
      %or3A_471 = arith.ori %shift_left3A_467, %shift_right_logical3A_470 : vector<8x1024xi32>
      %xor3A_472 = arith.xori %or3A_471, %add3A_464 : vector<8x1024xi32>
      %add3A_473 = arith.addi %add3A_464, %xor3A_472 : vector<8x1024xi32>
      %shift_left3A_474 = arith.constant 24 : i32
      %shift_left3A_475 = vector.broadcast %shift_left3A_474 : i32 to vector<8x1024xi32>
      %shift_left3A_476 = arith.shli %xor3A_472, %shift_left3A_475 : vector<8x1024xi32>
      %shift_right_logical3A_477 = arith.constant 8 : i32
      %shift_right_logical3A_478 = vector.broadcast %shift_right_logical3A_477 : i32 to vector<8x1024xi32>
      %shift_right_logical3A_479 = arith.shrui %xor3A_472, %shift_right_logical3A_478 : vector<8x1024xi32>
      %or3A_480 = arith.ori %shift_left3A_476, %shift_right_logical3A_479 : vector<8x1024xi32>
      %xor3A_481 = arith.xori %or3A_480, %add3A_473 : vector<8x1024xi32>
      %add3A_482 = arith.constant 42 : i32
      %add3A_483 = vector.broadcast %add3A_482 : i32 to vector<8x1024xi32>
      %add3A_484 = arith.addi %add3A_473, %add3A_483 : vector<8x1024xi32>
      %add3A_485 = arith.constant 466689012 : i32
      %add3A_486 = vector.broadcast %add3A_485 : i32 to vector<8x1024xi32>
      %add3A_487 = arith.addi %xor3A_481, %add3A_486 : vector<8x1024xi32>
      %add3A_488 = arith.addi %add3A_484, %add3A_487 : vector<8x1024xi32>
      %shift_left3A_489 = arith.constant 13 : i32
      %shift_left3A_490 = vector.broadcast %shift_left3A_489 : i32 to vector<8x1024xi32>
      %shift_left3A_491 = arith.shli %add3A_487, %shift_left3A_490 : vector<8x1024xi32>
      %shift_right_logical3A_492 = arith.constant 19 : i32
      %shift_right_logical3A_493 = vector.broadcast %shift_right_logical3A_492 : i32 to vector<8x1024xi32>
      %shift_right_logical3A_494 = arith.shrui %add3A_487, %shift_right_logical3A_493 : vector<8x1024xi32>
      %or3A_495 = arith.ori %shift_left3A_491, %shift_right_logical3A_494 : vector<8x1024xi32>
      %xor3A_496 = arith.xori %or3A_495, %add3A_488 : vector<8x1024xi32>
      %add3A_497 = arith.addi %add3A_488, %xor3A_496 : vector<8x1024xi32>
      %shift_left3A_498 = arith.constant 15 : i32
      %shift_left3A_499 = vector.broadcast %shift_left3A_498 : i32 to vector<8x1024xi32>
      %shift_left3A_500 = arith.shli %xor3A_496, %shift_left3A_499 : vector<8x1024xi32>
      %shift_right_logical3A_501 = arith.constant 17 : i32
      %shift_right_logical3A_502 = vector.broadcast %shift_right_logical3A_501 : i32 to vector<8x1024xi32>
      %shift_right_logical3A_503 = arith.shrui %xor3A_496, %shift_right_logical3A_502 : vector<8x1024xi32>
      %or3A_504 = arith.ori %shift_left3A_500, %shift_right_logical3A_503 : vector<8x1024xi32>
      %xor3A_505 = arith.xori %or3A_504, %add3A_497 : vector<8x1024xi32>
      %add3A_506 = arith.addi %add3A_497, %xor3A_505 : vector<8x1024xi32>
      %shift_left3A_507 = arith.constant 26 : i32
      %shift_left3A_508 = vector.broadcast %shift_left3A_507 : i32 to vector<8x1024xi32>
      %shift_left3A_509 = arith.shli %xor3A_505, %shift_left3A_508 : vector<8x1024xi32>
      %shift_right_logical3A_510 = arith.constant 6 : i32
      %shift_right_logical3A_511 = vector.broadcast %shift_right_logical3A_510 : i32 to vector<8x1024xi32>
      %shift_right_logical3A_512 = arith.shrui %xor3A_505, %shift_right_logical3A_511 : vector<8x1024xi32>
      %or3A_513 = arith.ori %shift_left3A_509, %shift_right_logical3A_512 : vector<8x1024xi32>
      %xor3A_514 = arith.xori %or3A_513, %add3A_506 : vector<8x1024xi32>
      %add3A_515 = arith.addi %add3A_506, %xor3A_514 : vector<8x1024xi32>
      %shift_left3A_516 = arith.constant 6 : i32
      %shift_left3A_517 = vector.broadcast %shift_left3A_516 : i32 to vector<8x1024xi32>
      %shift_left3A_518 = arith.shli %xor3A_514, %shift_left3A_517 : vector<8x1024xi32>
      %shift_right_logical3A_519 = arith.constant 26 : i32
      %shift_right_logical3A_520 = vector.broadcast %shift_right_logical3A_519 : i32 to vector<8x1024xi32>
      %shift_right_logical3A_521 = arith.shrui %xor3A_514, %shift_right_logical3A_520 : vector<8x1024xi32>
      %or3A_522 = arith.ori %shift_left3A_518, %shift_right_logical3A_521 : vector<8x1024xi32>
      %xor3A_523 = arith.xori %or3A_522, %add3A_515 : vector<8x1024xi32>
      %add3A_524 = arith.constant 466689008 : i32
      %add3A_525 = vector.broadcast %add3A_524 : i32 to vector<8x1024xi32>
      %add3A_526 = arith.addi %add3A_515, %add3A_525 : vector<8x1024xi32>
      %add3A_527 = arith.constant 5 : i32
      %add3A_528 = vector.broadcast %add3A_527 : i32 to vector<8x1024xi32>
      %add3A_529 = arith.addi %xor3A_523, %add3A_528 : vector<8x1024xi32>
      %xor3A_530 = arith.xori %add3A_526, %add3A_529 : vector<8x1024xi32>
      %shift_right_logical3A_531 = arith.constant 9 : i32
      %shift_right_logical3A_532 = vector.broadcast %shift_right_logical3A_531 : i32 to vector<8x1024xi32>
      %shift_right_logical3A_533 = arith.shrui %xor3A_530, %shift_right_logical3A_532 : vector<8x1024xi32>
      %or3A_534 = arith.constant 1065353216 : i32
      %or3A_535 = vector.broadcast %or3A_534 : i32 to vector<8x1024xi32>
      %or3A_536 = arith.ori %shift_right_logical3A_533, %or3A_535 : vector<8x1024xi32>
      %bitcast_convert_type3A_537 = tpu.bitcast %or3A_536 : vector<8x1024xi32> -> vector<8x1024xf32>
      %sub3A_538 = arith.constant 1.000000e+00 : f32
      %sub3A_539 = vector.broadcast %sub3A_538 : f32 to vector<8x1024xf32>
      %sub3A_540 = arith.subf %bitcast_convert_type3A_537, %sub3A_539 : vector<8x1024xf32>
      %mul3A_541 = arith.constant 8 : i32
      %mul3A_542 = arith.muli %add3A_292, %mul3A_541 : i32
      %get3A_543 = arith.index_cast %mul3A_542 : i32 to index
      %get3A_544 = arith.constant 0 : index
      %get3A_545 = vector.load %arg1[%get3A_543, %get3A_544] : memref<992x1024xf32, #tpu.memory_space<vmem>>, vector<8x1024xf32>
      %log3A_546 = math.log %sub3A_540 : vector<8x1024xf32>
      %log3A_547 = arith.constant 2.000000e+00 : f32
      %log3A_548 = math.log %log3A_547 : f32
      %div3A_549 = vector.broadcast %log3A_548 : f32 to vector<8x1024xf32>
      %div3A_550 = arith.divf %log3A_546, %div3A_549 : vector<8x1024xf32>
      %mul3A_551 = arith.mulf %div3A_550, %get3A_545 : vector<8x1024xf32>
      %bitcast_convert_type3A_552 = tpu.bitcast %mul3A_551 : vector<8x1024xf32> -> vector<8x1024xi32>
      %and3A_553 = arith.constant -128 : i32
      %and3A_554 = vector.broadcast %and3A_553 : i32 to vector<8x1024xi32>
      %and3A_555 = arith.andi %bitcast_convert_type3A_552, %and3A_554 : vector<8x1024xi32>
      %or3A_556 = vector.broadcast %add3A_292 : i32 to vector<8x1024xi32>
      %or3A_557 = arith.ori %and3A_555, %or3A_556 : vector<8x1024xi32>
      %min3A = arith.minsi %or3A_290, %or3A_557 : vector<8x1024xi32>
      %min3A_558 = arith.minsi %scan3A_36, %min3A : vector<8x1024xi32>
      scf.yield %min3A_558 : vector<8x1024xi32>
    }
    %scan3A_14 = arith.constant 62 : i32
    %reduce_min3A = vector.shape_cast %scan3A_13 : vector<8x1024xi32> to vector<1x8x1024xi32>
    %reduce_min3A_15 = arith.constant dense<2147483647> : vector<1xi32>
    %reduce_min3A_16 = vector.multi_reduction <minsi>, %reduce_min3A, %reduce_min3A_15 [1, 2] : vector<1x8x1024xi32> to vector<1xi32>
    %reduce_min3A_17 = vector.shape_cast %reduce_min3A_16 : vector<1xi32> to vector<1x1x1xi32>
    %reduce_min3A_18 = vector.extract %reduce_min3A_17[0, 0, 0] : i32 from vector<1x1x1xi32>
    %and3A = arith.constant 127 : i32
    %and3A_19 = arith.andi %reduce_min3A_18, %and3A : i32
    %eq3A = vector.broadcast %reduce_min3A_18 : i32 to vector<8x1024xi32>
    %eq3A_20 = arith.cmpi eq, %scan3A_13, %eq3A : vector<8x1024xi32>
    %mul3A_21 = arith.constant 8192 : i32
    %mul3A_22 = arith.muli %and3A_19, %mul3A_21 : i32
    %add3A_23 = vector.broadcast %mul3A_22 : i32 to vector<8x1024xi32>
    %add3A_24 = arith.addi %add3A_23, %add3A_8 : vector<8x1024xi32>
    %jit3A = arith.constant 2147483647 : i32
    %broadcast_in_dim3A_25 = vector.broadcast %jit3A : i32 to vector<8x1024xi32>
    %select_n3A = arith.select %eq3A_20, %add3A_24, %broadcast_in_dim3A_25 : vector<8x1024xi1>, vector<8x1024xi32>
    %reduce_min3A_26 = vector.shape_cast %select_n3A : vector<8x1024xi32> to vector<1x8x1024xi32>
    %reduce_min3A_27 = arith.constant dense<2147483647> : vector<1xi32>
    %reduce_min3A_28 = vector.multi_reduction <minsi>, %reduce_min3A_26, %reduce_min3A_27 [1, 2] : vector<1x8x1024xi32> to vector<1xi32>
    %reduce_min3A_29 = vector.shape_cast %reduce_min3A_28 : vector<1xi32> to vector<1x1x1xi32>
    %reduce_min3A_30 = vector.extract %reduce_min3A_29[0, 0, 0] : i32 from vector<1x1x1xi32>
    %broadcast_in_dim3A_31 = vector.broadcast %reduce_min3A_30 : i32 to vector<1x1x128xi32>
    %swap3A = arith.constant 0 : index
    %swap3A_32 = arith.constant 0 : index
    %swap3A_33 = arith.constant 0 : index
    %swap3A_34 = vector.load %arg3[%swap3A, %swap3A_32, %swap3A_33] : memref<1x1x128xi32, #tpu.memory_space<vmem>>, vector<1x1x128xi32>
    tpu.vector_store %arg3[%swap3A, %swap3A_32, %swap3A_33], %broadcast_in_dim3A_31 {strides = array<i32>} : memref<1x1x128xi32, #tpu.memory_space<vmem>>, vector<1x1x128xi32>,
    return
  }
  func.func @transform_0(%arg0: i32) -> (i32, i32) {
    %c0_i32 = arith.constant 0 : i32
    %c0_i32_0 = arith.constant 0 : i32
    %c0_i32_1 = arith.constant 0 : i32
    return %c0_i32, %c0_i32_0 : i32, i32
  }
  func.func @transform_1(%arg0: i32) -> i32 {
    %c0_i32 = arith.constant 0 : i32
    %c0_i32_0 = arith.constant 0 : i32
    return %c0_i32 : i32
  }
  func.func @transform_2(%arg0: i32) -> (i32, i32, i32) {
    %c0_i32 = arith.constant 0 : i32
    %c0_i32_0 = arith.constant 0 : i32
    %c0_i32_1 = arith.constant 0 : i32
    return %arg0, %c0_i32, %c0_i32_0 : i32, i32, i32
  }
}

</mosaic_0001>

<sc_bundles>
// kernel: gather_offload_async_start.1
scs
__scs_entry_jumppad:
0x0: {  	(pc) =	sbr.rel $0x88, $3  }
0x1: {  	(tag) =	ssettag $0x0;
	lr =	simm.s32 $0x1  }
0x2: {  	[smem:$0x3F9E] =	sst lr;
	_ =	strace $0xD0000000  }
0x3: {  	_ = 	snop  }
0x4: {  	_ = 	snop  }
0x5: {  	_ = 	snop  }
0x6: {  	_ = 	snop  }
0x7: {  	_ = 	snop  }
__scs_overlays_trampoline_lowered:
0x8: {  	[smem:$0x3FAD] =	sst s0  }
0x9: {  	[smem:$0x3FAE] =	sst s1  }
0xa: {  	[smem:$0x3FAF] =	sst s2  }
0xb: {  	[smem:$0x3FB0] =	sst s3  }
0xc: {  	[smem:$0x3FB1] =	sst s4  }
0xd: {  	[smem:$0x3FB2] =	sst s5  }
0xe: {  	[smem:$0x3FB3] =	sst s6  }
0xf: {  	[smem:$0x3FB4] =	sst s7  }
0x10: {  	[smem:$0x3FB5] =	sst s8  }
0x11: {  	[smem:$0x3FB6] =	sst s9;
	s0 =	simm.s32 @!p0 $0x0  }
0x12: {  	s1 =	sld [smem:$0x3F9C];
	s0 =	simm.s32 @p0 $0x1  }
0x13: {  	[smem:$0x3FB7] =	sst s0;
	s0 =	simm.s32 @!p1 $0x0  }
0x14: {  	s2 =	sld [smem:$0x3F9B];
	s0 =	simm.s32 @p1 $0x1  }
0x15: {  	[smem:$0x3FB8] =	sst s0;
	s0 =	simm.s32 @!p2 $0x0  }
0x16: {  	s3 =	sld [smem:$0x3FDB];
	s0 =	simm.s32 @p2 $0x1  }
0x17: {  	s4 =	simm.s32 $0x1BF5;
	[smem:$0x3FBA] =	sst s0  }
0x18: {  	s0 =	sld [smem:$0x3F9D];
	_ =	swait.ge [sflag:s4], $0x0  }
0x19: {  	s7 =	sld [smem:$0x3F9E]  }
0x1a: {  	s8 =	sadd.s32 $0xFFFFE003, lr  }
0x1b: {  	s9 =	sadd.s32 $0xFFFFFEF7, lr;
	s5 =	simm.s32 $0xFFFFFFFF;
	p2 =	slt.u32 s8, $0xFFFFF086  }
0x1c: {  	p1 =	slt.u32 s9, $0xF7A;
	s5 =	simm.s32 @!p2 $0x0  }
0x1d: {  	s5 =	simm.s32 @p1 $0x1;
	p0 =	seq.s32 s7, s2  }
0x1e: {  	s7 =	smul.u32 @!p0 $0xF7A, s2;
	p2 =	seq.s32 @!p0 s5, $0x0  }
0x1f: {  	s9 =	smul.u32 $0xF7A, s1;
	s8 =	simm.s32 @!p0 $0x1BF5;
	p2 =	por !p2, p0  }
0x20: {  	[sflag:s8] =	ssyncset.s32 @!p0 $0xFFFFF086;
	s6 =	sadd.s32 @!p0 s3, s7;
	s7 =	simm.s32 @!p0 $0x108  }
0x21: {  	s3 =	sadd.s32 s3, s9;
	s6 =	sadd.s32 @!p0 $0x88, s6;
	s7 =	simm.s32 @p2 $0x1082  }
0x22: {  	[simem:s7], [sflag:s8] =	dma.local @!p0 [hbm:s6], $0xF7A  }
0x23: {  	s9 =	sor.u32 $0xD0000000, s2;
	s6 =	simm.s32 $0x108;
	_ =	swait.ge @!p0 [sflag:s8], $0x0  }
0x24: {  	s3 =	sadd.s32 $0x88, s3;
	s6 =	simm.s32 @!p1 $0x1082;
	[sflag:s4] =	ssyncset.s32 $0xFFFFF086  }
0x25: {  	[simem:s6], [sflag:s4] =	dma.local [hbm:s3], $0xF7A  }
0x26: {  	[smem:$0x3F9E] =	sst s1;
	(tag) =	ssettag s2;
	_ =	strace s9  }
0x27: {  	s1 =	sld [smem:$0x3FAE]  }
0x28: {  	s2 =	sld [smem:$0x3FAF]  }
0x29: {  	s4 =	sld [smem:$0x3FB1]  }
0x2a: {  	p0 =	seq.s32 s5, $0x0;
	s5 =	sld [smem:$0x3FB2]  }
0x2b: {  	s6 =	sld [smem:$0x3FB3]  }
0x2c: {  	s7 =	sld [smem:$0x3FB4]  }
0x2d: {  	s3 =	simm.s32 $0x108;
	s8 =	sld [smem:$0x3FB5]  }
0x2e: {  	s3 =	simm.s32 @!p0 $0x1082;
	s9 =	sld [smem:$0x3FB6]  }
0x2f: {  	lr =	sadd.s32 s0, s3;
	s0 =	sld [smem:$0x3FAD]  }
0x30: {  	s3 =	sld [smem:$0x3FB0]  }
0x31: {  	[smem:$0x3FB9] =	sst s10  }
0x32: {  	s10 =	sld [smem:$0x3FB7];
	_ =	sdelay $0x3  }
0x33: {  	p0 =	seq.s32 s10, $0x1;
	s10 =	sld [smem:$0x3FB9];
	_ =	sdelay $0x3  }
0x34: {  	[smem:$0x3FB9] =	sst s10  }
0x35: {  	s10 =	sld [smem:$0x3FB8];
	_ =	sdelay $0x3  }
0x36: {  	p1 =	seq.s32 s10, $0x1;
	s10 =	sld [smem:$0x3FB9];
	_ =	sdelay $0x3  }
0x37: {  	[smem:$0x3FB9] =	sst s10  }
0x38: {  	s10 =	sld [smem:$0x3FBA]  }
0x39: {  	_ = 	snop;
	(pc) =	sbr.ind lr, $3  }
0x3a: {  	_ = 	snop  }
0x3b: {  	_ = 	snop  }
0x3c: {  	p2 =	seq.s32 s10, $0x1;
	s10 =	sld [smem:$0x3FB9]  }
0x3d: {  	_ =	shalt  }
0x3e: {  	_ =	shalt  }
0x3f: {  	_ =	shalt  }
0x40: {  	_ =	shalt  }
0x41: {  	_ =	shalt  }
0x42: {  	_ =	shalt  }
0x43: {  	_ =	shalt  }
0x44: {  	_ =	shalt  }
0x45: {  	_ =	shalt  }
0x46: {  	_ =	shalt  }
0x47: {  	_ =	shalt  }
0x48: {  	_ =	shalt  }
0x49: {  	_ =	shalt  }
0x4a: {  	_ =	shalt  }
0x4b: {  	_ =	shalt  }
0x4c: {  	_ =	shalt  }
0x4d: {  	_ =	shalt  }
0x4e: {  	_ =	shalt  }
0x4f: {  	_ =	shalt  }
0x50: {  	_ =	shalt  }
0x51: {  	_ =	shalt  }
0x52: {  	_ =	shalt  }
0x53: {  	_ =	shalt  }
0x54: {  	_ =	shalt  }
0x55: {  	_ =	shalt  }
0x56: {  	_ =	shalt  }
0x57: {  	_ =	shalt  }
0x58: {  	_ =	shalt  }
0x59: {  	_ =	shalt  }
0x5a: {  	_ =	shalt  }
0x5b: {  	_ =	shalt  }
0x5c: {  	_ =	shalt  }
0x5d: {  	_ =	shalt  }
0x5e: {  	_ =	shalt  }
0x5f: {  	_ =	shalt  }
0x60: {  	_ =	shalt  }
0x61: {  	_ =	shalt  }
0x62: {  	_ =	shalt  }
0x63: {  	_ =	shalt  }
0x64: {  	_ =	shalt  }
0x65: {  	_ =	shalt  }
0x66: {  	_ =	shalt  }
0x67: {  	_ =	shalt  }
0x68: {  	_ =	shalt  }
0x69: {  	_ =	shalt  }
0x6a: {  	_ =	shalt  }
0x6b: {  	_ =	shalt  }
0x6c: {  	_ =	shalt  }
0x6d: {  	_ =	shalt  }
0x6e: {  	_ =	shalt  }
0x6f: {  	_ =	shalt  }
0x70: {  	_ =	shalt  }
0x71: {  	_ =	shalt  }
0x72: {  	_ =	shalt  }
0x73: {  	_ =	shalt  }
0x74: {  	_ =	shalt  }
0x75: {  	_ =	shalt  }
0x76: {  	_ =	shalt  }
0x77: {  	_ =	shalt  }
0x78: {  	_ =	shalt  }
0x79: {  	_ =	shalt  }
0x7a: {  	_ =	shalt  }
0x7b: {  	_ =	shalt  }
0x7c: {  	_ =	shalt  }
0x7d: {  	_ =	shalt  }
0x7e: {  	_ =	shalt  }
0x7f: {  	_ =	shalt  }
0x80: {  	_ =	shalt  }
0x81: {  	_ =	shalt  }
0x82: {  	_ =	shalt  }
0x83: {  	_ =	shalt  }
0x84: {  	_ =	shalt  }
0x85: {  	_ =	shalt  }
0x86: {  	_ =	shalt  }
0x87: {  	_ =	shalt  }
.Lfunc_end0:
.L_simem_size_0:
called_computation.1_lowered:
.L_overlay_start_0:
0x88: {  	s2 =	sld [smem:$0x3FD9]  }
0x89: {  	s3 =	sld [smem:$0x3FFE];
	_ =	sdelay $0x1  }
0x8a: {  	s1 =	srdreg.scid  }
0x8b: {  	s0 =	sand.u32 $0x1, s1  }
0x8c: {  	s16 =	sshll.u32 s0, $0xA;
	s2 =	sadd.s32 s3, s2  }
0x8d: {  	s2 =	sadd.s32 s2, s16  }
0x8e: {  	[smem:$0x3FC5] =	sst s2  }
0x8f: {  	_ = 	snop  }
0x90: {  	(tm) =	ssettm $0x1  }
0x91: {  	s17 =	sld [smem:$0x3FFB];
	_ =	sdelay $0x3  }
0x92: {  	_ =	strace s17  }
0x93: {  	s2 =	sld [smem:$0x3FFC];
	_ =	sdelay $0x3  }
0x94: {  	_ =	strace s2  }
0x95: {  	s2 =	sld [smem:$0x3FFD];
	_ =	sdelay $0x3  }
0x96: {  	_ =	strace s2  }
0x97: {  	_ =	strace $0x8FFFFFFF  }
0x98: {  	s18 =	sld [smem:$0x3FDB];
	_ =	sdelay $0x1  }
0x99: {  	s19 =	simm.s32 $_scs_section_size  }
0x9a: {  	s4 =	simm.s32 $_size__tile_overlayer_lowered;
	s5 =	simm.s32 $_tile_overlayer_lowered  }
0x9b: {  	s22 =	simm.s32 $0x1BFF;
	s21 =	sshll.u32 s5, $0x1;
	s2 =	sadd.s32 s19, s18  }
0x9c: {  	s6 =	simm.s32 $0x0;
	s20 =	sshll.u32 s4, $0x1;
	s4 =	sadd.s32 s21, s2  }
0x9d: {  	[timem:s6], [sflag:s22] =	dma.local [hbm:s4], s20  }
0x9e: {  	_ =	swait.ge [sflag:s22], s20  }
0x9f: {  	s3 =	ssub.s32 $0x0, s20;
	[sflag:s22] =	ssyncset.done $0x0  }
0xa0: {  	[sflag:s22] =	ssyncadd.s32 s3;
	_ =	sdelay $0x1  }
0xa1: {  	s23 =	simm.s32 $0x1B8B  }
0xa2: {  	_ =	swait.ge [sflag:s23], $0x1  }
0xa3: {  	[sflag:s23] =	ssyncset.done $0x0  }
0xa4: {  	s25 =	simm.s32 $0x1B8E;
	s24 =	sld [smem:$0x3FFE];
	[sflag:s23] =	ssyncadd.s32 $0xFFFFFFFF  }
0xa5: {  	s26 =	simm.s32 $execute0_lowered;
	[smem:$0x3FD2] =	sst s25  }
0xa6: {  	s4 =	sshll.u32 s26, $0x1;
	_ =	strace $0x80000046;
	[dreg:$0x1] =	wrdreg $0xFFFFFFFF  }
0xa7: {  	s28 =	simm.s32 $_size_execute0_lowered;
	s2 =	sadd.s32 s2, s4;
	[dreg:$0x0] =	wrdreg $0x0  }
0xa8: {  	s4 =	sshll.u32 s28, $0x1;
	[dreg:$0x2] =	wrdreg s2  }
0xa9: {  	[dreg:$0x3] =	wrdreg s4  }
0xaa: {  	[dreg:$0x4] =	wrdreg $0xC0  }
0xab: {  	_ =	task [dreg:s6], $0x5FFFF  }
0xac: {  	[dreg:$0x1] =	wrdreg $0xFFFFFFFF  }
0xad: {  	[dreg:$0x0] =	wrdreg $0x60  }
0xae: {  	[dreg:$0x2] =	wrdreg s24  }
0xaf: {  	[dreg:$0x3] =	wrdreg $0xA  }
0xb0: {  	_ =	task.clear_ibuf [dreg:s6], $0x4FFFF;
	_ =	strace $0x90000046  }
0xb1: {  	s29 =	simm.s32 $0xA;
	_ =	strace $0x80000048  }
0xb2: {  	_ =	swait.ge [sflag:s29], $0x1  }
0xb3: {  	[sflag:s29] =	ssyncadd.s32 $0xFFFFFFFF  }
0xb4: {  	_ =	strace $0x90000048  }
0xb5: {  	_ =	sfence  }
0xb6: {  	s30 =	sld [smem:$0x0];
	_ =	sdelay $0x2  }
0xb7: {  	s31 =	sshll.u32 s1, $0xD;
	s1 =	sshrl.u32 s1, $0x2  }
0xb8: {  	s3 =	sand.u32 $0x4000, s31;
	s1 =	sadd.s32 s1, s30  }
0xb9: {  	s0 =	sor.u32 s3, s0;
	s1 =	sshll.u32 s1, $0x11  }
0xba: {  	s0 =	sor.u32 s1, s0  }
0xbb: {  	s0 =	sadd.s32 $0x8F2B, s0  }
0xbc: {  	[sflag:s0] =	ssyncadd.remote.s32 $0x1  }
0xbd: {  	_ =	sfence.sel $0xFFFF  }
0xbe: {  	[dreg:$0x0] =	wrdreg $0xFFFFFFFF;
	(pc) =	sbr.abs _section_cstart, $3  }
0xbf: {  	[dreg:$0x1] =	wrdreg $0xFFFFFFFF  }
0xc0: {  	_ =	task.clear_ibuf [dreg:s6], $0x2FFFF;
	_ =	strace $0x9FFFFFFF  }
0xc1: {  	(tm) =	ssettm $0x7FFFFFFF  }
tec
execute0_lowered:
.L_overlay_start_1:
0x0: {  	(tag) =	ssettag $0x1  }
0x1: {  	s7 =	rddreg [dreg:$0x0]  }
0x2: {  	s0 =	rddreg [dreg:$0x1];
	_ =	strace $0x80000047  }
0x3: {  	s1 =	srdreg.scid;
	s4 =	simm.s32 $0x1;
	s9 =	simm.s32 $0x3  }
0x4: {  	s11 =	simm.s32 $0x0;
	p0 =	por $0x0, $0x0;
	s5 =	sshll.u32 s1, $0x4  }
.Ltmp0:
0x5: {  	s1 =	stileid.u32;
	s5 =	sand.u32 $0x10, s5;
	(pc) =	sbr.rel .LBB2_1-.Ltmp0, $4  }
0x6: {  	s2 =	sadd.s32 $0x44200, s7;
	s3 =	sadd.s32 $0x1200, s7;
	s6 =	sor.u32 s1, s5  }
0x7: {  	[sflag:s4] =	ssyncpa.u1 $0x0;
	s5 =	simm.s32 $0x2;
	s6 =	sshll.u32 s6, $0x9  }
0x8: {  	s7 =	sadd.s32 $0xF86600, s7;
	[sflag:s5] =	ssyncpa.u1 $0x0;
	s8 =	sadd.s32 $0x200, s6  }
0x9: {  	vm0 =	vmmov $0xff;
	vm1 =	vcmask $0x3F20;
	[sflag:s9] =	ssyncpa.u1 $0x0;
	s10 =	smov.u32 s6;
	s9 =	simm.s32 $0x0  }
.LBB2_7:
0xa: {  	p1 =	slt.u32 s9, $0x2;
	s11 =	sadd.s32 $0x100, s10  }
0xb: {  	s13 =	smov.u32 s6;
	s9 =	sadd.s32 $0x1, s9;
	p2 =	slt.s32 s11, s8  }
0xc: {  	s13 =	smov.u32 @p2 s11;
	p2 =	sne.s32 s9, $0x4  }
.Ltmp1:
0xd: {  	_ = 	snop;
	(pc) =	sbr.rel @!p2 .LBB2_8-.Ltmp1, $4  }
0xe: {  	s12 =	simm.s32 @!p1 $0x3  }
0xf: {  	_ =	swait.ge @!p1 [sflag:s12], $0x8000  }
0x10: {  	p0 =	por !p0, !p0;
	[sflag:s12] =	ssyncset.done @!p1 $0x0  }
0x11: {  	s11 =	smov.u32 s10;
	s10 =	smov.u32 s13;
	[sflag:s12] =	ssyncadd.s32 @!p1 $0xFFFF8000  }
.LBB2_1:
0x12: {  	p1 =	sgt.u32 s9, $0x1  }
0x13: {  	s12 =	sshll.u32 @!p1 s9, $0x8;
	s13 =	sshrl.u32 @!p1 s10, $0x3  }
0x14: {  	s14 =	sand.u32 @!p1 $0x7, s10;
	s12 =	sxor.u32 @!p1 $0x100, s12;
	s13 =	sadd.s32 @!p1 s3, s13  }
0x15: {  	[tilespmem:s12], [sflag:$0x2] =	stream.linear.gather @!p1 [hbm4b:s13+s14], $0x100, $0x38;
	[tilespmem:$0x10200] =	vst v63  }
0x16: {  	p1 =	seq.s32 s9, $0x0  }
0x17: {  	p2 =	seq.s32 @!p1 s9, $0x3  }
0x18: {  	p1 =	por p1, p2  }
.Ltmp2:
0x19: {  	_ = 	snop;
	(pc) =	sbr.rel @p1 .LBB2_7-.Ltmp2, $1  }
0x1a: {  	_ =	sdelay $0x3  }
0x1b: {  	s12 =	simm.s32 $0x1  }
0x1c: {  	_ =	swait.ge [sflag:s5], $0x100;
	s12 =	simm.s32 @!p0 $0x0  }
0x1d: {  	[sflag:s5] =	ssyncset.done $0x0;
	s14 =	sshll.u32 s12, $0x8  }
0x1e: {  	[sflag:s5] =	ssyncadd.s32 $0xFFFFFF00;
	s13 =	sadd.s32 $0x0, s14  }
0x1f: {  	v0 =	vld.msk [tilespmem:s13+$0x0 ss:$0x1], $0xffff;
	_ =	sdelay $0x4  }
0x20: {  	vm2 =	vgt.s32 v0, $0x0  }
0x21: {  	v0 =	vnsel vm2, $0x0, v0  }
0x22: {  	v0 =	vmin.u32 v0, $0xF423F  }
0x23: {  	v0 =	vshll.u32 v0, $0x4;
	_ =	sdelay $0x2  }
0x24: {  	s12 =	sshll.u32 s12, $0xF  }
0x25: {  	s12 =	sor.u32 $0x200, s12  }
0x26: {  	[tilespmem:s12], [sflag:$0x1] =	stream.indirect_vreg.gather [hbm:s2], $0x80, v0, vm0, $0x38;
	[tilespmem:$0x10200] =	vst v63  }
0x27: {  	s15 =	sadd.s32 $0x10, s14;
	s13 =	sadd.s32 $0x400, s12  }
0x28: {  	[tilespmem:s13], [sflag:$0x1] =	stream.indirect_vreg.gather [hbm:s2], $0x80, v0, vm1, $0x38;
	[tilespmem:$0x10200] =	vst v63  }
0x29: {  	s16 =	simm.s32 $0x80;
	v0 =	vld.msk [tilespmem:s15+$0x0 ss:$0x1], $0xffff;
	s15 =	smov.u32 s12  }
.LBB2_3:
0x2a: {  	p1 =	sne.s32 s16, $0x3C0;
	_ =	sdelay $0x4  }
0x2b: {  	vm2 =	vgt.s32 v0, $0x0  }
0x2c: {  	v0 =	vnsel vm2, $0x0, v0  }
0x2d: {  	v0 =	vmin.u32 v0, $0xF423F  }
0x2e: {  	v0 =	vshll.u32 v0, $0x4;
	_ =	sdelay $0x3  }
.Ltmp3:
0x2f: {  	s17 =	sshra.s32 s16, $0x2;
	s15 =	sadd.s32 $0x800, s15;
	(pc) =	sbr.rel @p1 .LBB2_3-.Ltmp3, $4  }
0x30: {  	[tilespmem:s15], [sflag:$0x1] =	stream.indirect_vreg.gather [hbm:s2], $0x80, v0, vm0, $0x38;
	[tilespmem:$0x10200] =	vst v63  }
0x31: {  	s17 =	sadd.s32 s17, s14;
	s18 =	sadd.s32 $0x400, s15  }
0x32: {  	[tilespmem:s18], [sflag:$0x1] =	stream.indirect_vreg.gather [hbm:s2], $0x80, v0, vm1, $0x38;
	[tilespmem:$0x10200] =	vst v63  }
0x33: {  	s16 =	sadd.s32 $0x40, s16;
	v0 =	vld.msk [tilespmem:s17+$0x0 ss:$0x1], $0xffff  }
0x34: {  	_ =	sdelay $0x3  }
0x35: {  	vm2 =	vgt.s32 v0, $0x0  }
0x36: {  	v0 =	vnsel vm2, $0x0, v0  }
0x37: {  	v0 =	vmin.u32 v0, $0xF423F  }
0x38: {  	v0 =	vshll.u32 v0, $0x4;
	_ =	sdelay $0x3  }
0x39: {  	s14 =	sadd.s32 $0x800, s15  }
0x3a: {  	[tilespmem:s14], [sflag:$0x1] =	stream.indirect_vreg.gather [hbm:s2], $0x80, v0, vm0, $0x38;
	[tilespmem:$0x10200] =	vst v63  }
0x3b: {  	s14 =	sadd.s32 $0x400, s14  }
0x3c: {  	[tilespmem:s14], [sflag:$0x1] =	stream.indirect_vreg.gather [hbm:s2], $0x80, v0, vm1, $0x38;
	[tilespmem:$0x10200] =	vst v63  }
0x3d: {  	s11 =	sshll.u32 s11, $0x4;
	_ =	swait.ge [sflag:s4], $0x8000  }
0x3e: {  	s11 =	sadd.s32 s11, s7;
	[sflag:s4] =	ssyncset.done $0x0  }
0x3f: {  	s15 =	sadd.s32 $0x0, s11;
	s14 =	simm.s32 $0x80;
	[sflag:s4] =	ssyncadd.s32 $0xFFFF8000  }
.LBB2_5:
0x40: {  	[hbm:s15] =	stream.linear.scatter [tilespmem:s12], [sflag:$0x3], $0x400, $0x38;
	[tilespmem:$0x10200] =	vst v63  }
0x41: {  	s15 =	smov.u32 s14;
	s12 =	smov.u32 s13;
	p1 =	sne.s32 s14, $0xF80  }
.Ltmp4:
0x42: {  	s14 =	sadd.s32 $0x80, s14;
	(pc) =	sbr.rel @p1 .LBB2_5-.Ltmp4, $2  }
0x43: {  	_ =	sdelay $0x2  }
0x44: {  	s13 =	sadd.s32 $0x400, s13;
	s15 =	sadd.s32 s15, s11  }
.Ltmp5:
0x45: {  	(pc) =	sbr.rel .LBB2_7-.Ltmp5, $2  }
0x46: {  	_ =	sdelay $0x2  }
0x47: {  	[hbm:s15] =	stream.linear.scatter [tilespmem:s12], [sflag:$0x3], $0x400, $0x38;
	[tilespmem:$0x10200] =	vst v63  }
.LBB2_8:
0x48: {  	_ =	sfence.sel $0x180000  }
0x49: {  	s2 =	simm.s32 $0x2;
	[bflag:$0x0] =	sbarrier.arrive $0xFFFF  }
0x4a: {  	s30 =	simm.s32 $0x3;
	[sflag:s2] =	ssyncpa.u1 $0x1  }
0x4b: {  	s31 =	simm.s32 $0x1;
	[sflag:s30] =	ssyncpa.u1 $0x1  }
0x4c: {  	[sflag:s31] =	ssyncpa.u1 $0x1  }
0x4d: {  	p0 =	sne.s32 s1, $0x0;
	_ =	strace $0x90000047  }
0x4e: {  	s0 =	sadd.s32 @!p0 $0x100000, s0;
	[bflag:$0x2] =	sbarrier.arrive $0xFFFF  }
0x4f: {  	[sflag:s0] =	ssyncadd.tile.s32 @!p0 $0x1;
	_ =	shalt  }
.Lfunc_end2:
_tile_overlayer_lowered:
.L_overlay_start_2:
0x50: {  	(tag) =	ssettag $0x2  }
0x51: {  	s0 =	rddreg [dreg:$0x0];
	s2 =	stileid.u32  }
0x52: {  	s1 =	rddreg [dreg:$0x1];
	p0 =	sne.s32 s2, $0x0  }
0x53: {  	s3 =	rddreg [dreg:$0x2];
	[bflag:$0x3] =	sbarrier.arrive $0xFFFF;
	s2 =	simm.s32 @!p0 $0x1C01  }
0x54: {  	[timem:s3], [sflag:s2] =	dma.local @!p0 [hbm:s0], s1  }
0x55: {  	s0 =	simm.s32 @!p0 $0x1  }
0x56: {  	_ =	swait.ge @!p0 [sflag:s0], s1  }
0x57: {  	s1 =	ssub.s32 @!p0 $0x0, s1;
	[sflag:s0] =	ssyncset.done @!p0 $0x0  }
0x58: {  	[sflag:s0] =	ssyncadd.s32 @!p0 s1  }
0x59: {  	[bflag:$0x3] =	sbarrier.arrive $0xFFFF  }
0x5a: {  	_ =	shalt  }

// kernel: gather_offload_async_start
scs
__scs_entry_jumppad:
0x0: {  	(pc) =	sbr.rel $0x88, $3  }
0x1: {  	(tag) =	ssettag $0x0;
	lr =	simm.s32 $0x1  }
0x2: {  	[smem:$0x3F9E] =	sst lr;
	_ =	strace $0xD0000000  }
0x3: {  	_ = 	snop  }
0x4: {  	_ = 	snop  }
0x5: {  	_ = 	snop  }
0x6: {  	_ = 	snop  }
0x7: {  	_ = 	snop  }
__scs_overlays_trampoline_lowered:
0x8: {  	[smem:$0x3FAD] =	sst s0  }
0x9: {  	[smem:$0x3FAE] =	sst s1  }
0xa: {  	[smem:$0x3FAF] =	sst s2  }
0xb: {  	[smem:$0x3FB0] =	sst s3  }
0xc: {  	[smem:$0x3FB1] =	sst s4  }
0xd: {  	[smem:$0x3FB2] =	sst s5  }
0xe: {  	[smem:$0x3FB3] =	sst s6  }
0xf: {  	[smem:$0x3FB4] =	sst s7  }
0x10: {  	[smem:$0x3FB5] =	sst s8  }
0x11: {  	[smem:$0x3FB6] =	sst s9;
	s0 =	simm.s32 @!p0 $0x0  }
0x12: {  	s1 =	sld [smem:$0x3F9C];
	s0 =	simm.s32 @p0 $0x1  }
0x13: {  	[smem:$0x3FB7] =	sst s0;
	s0 =	simm.s32 @!p1 $0x0  }
0x14: {  	s2 =	sld [smem:$0x3F9B];
	s0 =	simm.s32 @p1 $0x1  }
0x15: {  	[smem:$0x3FB8] =	sst s0;
	s0 =	simm.s32 @!p2 $0x0  }
0x16: {  	s3 =	sld [smem:$0x3FDB];
	s0 =	simm.s32 @p2 $0x1  }
0x17: {  	s4 =	simm.s32 $0x1BF5;
	[smem:$0x3FBA] =	sst s0  }
0x18: {  	s0 =	sld [smem:$0x3F9D];
	_ =	swait.ge [sflag:s4], $0x0  }
0x19: {  	s7 =	sld [smem:$0x3F9E]  }
0x1a: {  	s8 =	sadd.s32 $0xFFFFE003, lr  }
0x1b: {  	s9 =	sadd.s32 $0xFFFFFEF7, lr;
	s5 =	simm.s32 $0xFFFFFFFF;
	p2 =	slt.u32 s8, $0xFFFFF086  }
0x1c: {  	p1 =	slt.u32 s9, $0xF7A;
	s5 =	simm.s32 @!p2 $0x0  }
0x1d: {  	s5 =	simm.s32 @p1 $0x1;
	p0 =	seq.s32 s7, s2  }
0x1e: {  	s7 =	smul.u32 @!p0 $0xF7A, s2;
	p2 =	seq.s32 @!p0 s5, $0x0  }
0x1f: {  	s9 =	smul.u32 $0xF7A, s1;
	s8 =	simm.s32 @!p0 $0x1BF5;
	p2 =	por !p2, p0  }
0x20: {  	[sflag:s8] =	ssyncset.s32 @!p0 $0xFFFFF086;
	s6 =	sadd.s32 @!p0 s3, s7;
	s7 =	simm.s32 @!p0 $0x108  }
0x21: {  	s3 =	sadd.s32 s3, s9;
	s6 =	sadd.s32 @!p0 $0x88, s6;
	s7 =	simm.s32 @p2 $0x1082  }
0x22: {  	[simem:s7], [sflag:s8] =	dma.local @!p0 [hbm:s6], $0xF7A  }
0x23: {  	s9 =	sor.u32 $0xD0000000, s2;
	s6 =	simm.s32 $0x108;
	_ =	swait.ge @!p0 [sflag:s8], $0x0  }
0x24: {  	s3 =	sadd.s32 $0x88, s3;
	s6 =	simm.s32 @!p1 $0x1082;
	[sflag:s4] =	ssyncset.s32 $0xFFFFF086  }
0x25: {  	[simem:s6], [sflag:s4] =	dma.local [hbm:s3], $0xF7A  }
0x26: {  	[smem:$0x3F9E] =	sst s1;
	(tag) =	ssettag s2;
	_ =	strace s9  }
0x27: {  	s1 =	sld [smem:$0x3FAE]  }
0x28: {  	s2 =	sld [smem:$0x3FAF]  }
0x29: {  	s4 =	sld [smem:$0x3FB1]  }
0x2a: {  	p0 =	seq.s32 s5, $0x0;
	s5 =	sld [smem:$0x3FB2]  }
0x2b: {  	s6 =	sld [smem:$0x3FB3]  }
0x2c: {  	s7 =	sld [smem:$0x3FB4]  }
0x2d: {  	s3 =	simm.s32 $0x108;
	s8 =	sld [smem:$0x3FB5]  }
0x2e: {  	s3 =	simm.s32 @!p0 $0x1082;
	s9 =	sld [smem:$0x3FB6]  }
0x2f: {  	lr =	sadd.s32 s0, s3;
	s0 =	sld [smem:$0x3FAD]  }
0x30: {  	s3 =	sld [smem:$0x3FB0]  }
0x31: {  	[smem:$0x3FB9] =	sst s10  }
0x32: {  	s10 =	sld [smem:$0x3FB7];
	_ =	sdelay $0x3  }
0x33: {  	p0 =	seq.s32 s10, $0x1;
	s10 =	sld [smem:$0x3FB9];
	_ =	sdelay $0x3  }
0x34: {  	[smem:$0x3FB9] =	sst s10  }
0x35: {  	s10 =	sld [smem:$0x3FB8];
	_ =	sdelay $0x3  }
0x36: {  	p1 =	seq.s32 s10, $0x1;
	s10 =	sld [smem:$0x3FB9];
	_ =	sdelay $0x3  }
0x37: {  	[smem:$0x3FB9] =	sst s10  }
0x38: {  	s10 =	sld [smem:$0x3FBA]  }
0x39: {  	_ = 	snop;
	(pc) =	sbr.ind lr, $3  }
0x3a: {  	_ = 	snop  }
0x3b: {  	_ = 	snop  }
0x3c: {  	p2 =	seq.s32 s10, $0x1;
	s10 =	sld [smem:$0x3FB9]  }
0x3d: {  	_ =	shalt  }
0x3e: {  	_ =	shalt  }
0x3f: {  	_ =	shalt  }
0x40: {  	_ =	shalt  }
0x41: {  	_ =	shalt  }
0x42: {  	_ =	shalt  }
0x43: {  	_ =	shalt  }
0x44: {  	_ =	shalt  }
0x45: {  	_ =	shalt  }
0x46: {  	_ =	shalt  }
0x47: {  	_ =	shalt  }
0x48: {  	_ =	shalt  }
0x49: {  	_ =	shalt  }
0x4a: {  	_ =	shalt  }
0x4b: {  	_ =	shalt  }
0x4c: {  	_ =	shalt  }
0x4d: {  	_ =	shalt  }
0x4e: {  	_ =	shalt  }
0x4f: {  	_ =	shalt  }
0x50: {  	_ =	shalt  }
0x51: {  	_ =	shalt  }
0x52: {  	_ =	shalt  }
0x53: {  	_ =	shalt  }
0x54: {  	_ =	shalt  }
0x55: {  	_ =	shalt  }
0x56: {  	_ =	shalt  }
0x57: {  	_ =	shalt  }
0x58: {  	_ =	shalt  }
0x59: {  	_ =	shalt  }
0x5a: {  	_ =	shalt  }
0x5b: {  	_ =	shalt  }
0x5c: {  	_ =	shalt  }
0x5d: {  	_ =	shalt  }
0x5e: {  	_ =	shalt  }
0x5f: {  	_ =	shalt  }
0x60: {  	_ =	shalt  }
0x61: {  	_ =	shalt  }
0x62: {  	_ =	shalt  }
0x63: {  	_ =	shalt  }
0x64: {  	_ =	shalt  }
0x65: {  	_ =	shalt  }
0x66: {  	_ =	shalt  }
0x67: {  	_ =	shalt  }
0x68: {  	_ =	shalt  }
0x69: {  	_ =	shalt  }
0x6a: {  	_ =	shalt  }
0x6b: {  	_ =	shalt  }
0x6c: {  	_ =	shalt  }
0x6d: {  	_ =	shalt  }
0x6e: {  	_ =	shalt  }
0x6f: {  	_ =	shalt  }
0x70: {  	_ =	shalt  }
0x71: {  	_ =	shalt  }
0x72: {  	_ =	shalt  }
0x73: {  	_ =	shalt  }
0x74: {  	_ =	shalt  }
0x75: {  	_ =	shalt  }
0x76: {  	_ =	shalt  }
0x77: {  	_ =	shalt  }
0x78: {  	_ =	shalt  }
0x79: {  	_ =	shalt  }
0x7a: {  	_ =	shalt  }
0x7b: {  	_ =	shalt  }
0x7c: {  	_ =	shalt  }
0x7d: {  	_ =	shalt  }
0x7e: {  	_ =	shalt  }
0x7f: {  	_ =	shalt  }
0x80: {  	_ =	shalt  }
0x81: {  	_ =	shalt  }
0x82: {  	_ =	shalt  }
0x83: {  	_ =	shalt  }
0x84: {  	_ =	shalt  }
0x85: {  	_ =	shalt  }
0x86: {  	_ =	shalt  }
0x87: {  	_ =	shalt  }
.Lfunc_end0:
.L_simem_size_0:
called_computation_lowered:
.L_overlay_start_0:
0x88: {  	s2 =	sld [smem:$0x3FD9]  }
0x89: {  	s3 =	sld [smem:$0x3FFE];
	_ =	sdelay $0x1  }
0x8a: {  	s1 =	srdreg.scid  }
0x8b: {  	s0 =	sand.u32 $0x1, s1  }
0x8c: {  	s17 =	sshll.u32 s0, $0xA;
	s2 =	sadd.s32 s3, s2  }
0x8d: {  	s2 =	sadd.s32 s2, s17  }
0x8e: {  	[smem:$0x3FC5] =	sst s2  }
0x8f: {  	_ = 	snop  }
0x90: {  	(tm) =	ssettm $0x1  }
0x91: {  	s18 =	sld [smem:$0x3FFB];
	_ =	sdelay $0x3  }
0x92: {  	_ =	strace s18  }
0x93: {  	s2 =	sld [smem:$0x3FFC];
	_ =	sdelay $0x3  }
0x94: {  	_ =	strace s2  }
0x95: {  	s2 =	sld [smem:$0x3FFD];
	_ =	sdelay $0x3  }
0x96: {  	_ =	strace s2  }
0x97: {  	_ =	strace $0x8FFFFFFF  }
0x98: {  	s19 =	sld [smem:$0x3FDB];
	_ =	sdelay $0x1  }
0x99: {  	s20 =	simm.s32 $_scs_section_size  }
0x9a: {  	s4 =	simm.s32 $_size__tile_overlayer_lowered;
	s5 =	simm.s32 $_tile_overlayer_lowered  }
0x9b: {  	s6 =	simm.s32 $0x1BFF;
	s21 =	sshll.u32 s5, $0x1;
	s3 =	sadd.s32 s20, s19  }
0x9c: {  	s22 =	simm.s32 $0x0;
	s4 =	sshll.u32 s4, $0x1;
	s5 =	sadd.s32 s21, s3  }
0x9d: {  	[timem:s22], [sflag:s6] =	dma.local [hbm:s5], s4  }
0x9e: {  	_ =	swait.ge [sflag:s6], s4  }
0x9f: {  	s4 =	ssub.s32 $0x0, s4;
	[sflag:s6] =	ssyncset.done $0x0  }
0xa0: {  	[sflag:s6] =	ssyncadd.s32 s4;
	_ =	sdelay $0x1  }
0xa1: {  	s23 =	simm.s32 $0x1B8B  }
0xa2: {  	_ =	swait.ge [sflag:s23], $0x1  }
0xa3: {  	[sflag:s23] =	ssyncset.done $0x0  }
0xa4: {  	[sflag:s23] =	ssyncadd.s32 $0xFFFFFFFF  }
0xa5: {  	s4 =	sld [smem:$0x0]  }
0xa6: {  	s5 =	sand.u32 $0xFFFFFFFE, s1  }
0xa7: {  	p0 =	sne.s32 s1, s5  }
0xa8: {  	s5 =	sshll.u32 @p0 s5, $0xE  }
0xa9: {  	s5 =	sadd.s32 @p0 $0x11B8D, s5;
	s6 =	sshll.u32 @p0 s4, $0x11  }
0xaa: {  	s5 =	sor.u32 @p0 s6, s5  }
0xab: {  	[sflag:s5] =	ssyncadd.remote.s32 @p0 $0x1;
	_ =	sdelay $0x1  }
0xac: {  	s5 =	simm.s32 @p0 $0x1B8D  }
0xad: {  	_ =	swait.eq @p0 [sflag:s5], $0x1  }
0xae: {  	[sflag:s5] =	ssyncadd.s32 @p0 $0xFFFFFFFF  }
0xaf: {  	s6 =	sshll.u32 @!p0 s1, $0xE  }
0xb0: {  	s6 =	sor.u32 @!p0 $0x4000, s6;
	s5 =	simm.s32 @!p0 $0x1B8D  }
0xb1: {  	s4 =	sshll.u32 @!p0 s4, $0x11;
	s6 =	sadd.s32 @!p0 $0x11B8D, s6;
	_ =	swait.eq @!p0 [sflag:s5], $0x1  }
0xb2: {  	s4 =	sor.u32 @!p0 s4, s6;
	[sflag:s5] =	ssyncadd.s32 @!p0 $0xFFFFFFFF  }
0xb3: {  	s25 =	simm.s32 $0x1B8E;
	s24 =	sld [smem:$0x3FFE];
	[sflag:s4] =	ssyncadd.remote.s32 @!p0 $0x1  }
0xb4: {  	s26 =	simm.s32 $execute0_lowered;
	[smem:$0x3FD2] =	sst s25  }
0xb5: {  	s5 =	sshll.u32 s26, $0x1;
	_ =	strace $0x80000049;
	[dreg:$0x1] =	wrdreg $0xFFFFFFFF  }
0xb6: {  	s28 =	simm.s32 $_size_execute0_lowered;
	s3 =	sadd.s32 s3, s5;
	[dreg:$0x0] =	wrdreg $0x0  }
0xb7: {  	s5 =	sshll.u32 s28, $0x1;
	[dreg:$0x2] =	wrdreg s3  }
0xb8: {  	[dreg:$0x3] =	wrdreg s5  }
0xb9: {  	[dreg:$0x4] =	wrdreg $0xC0  }
0xba: {  	_ =	task [dreg:s22], $0x5FFFF  }
0xbb: {  	[dreg:$0x1] =	wrdreg $0xFFFFFFFF  }
0xbc: {  	[dreg:$0x0] =	wrdreg $0x60  }
0xbd: {  	[dreg:$0x2] =	wrdreg s24  }
0xbe: {  	[dreg:$0x3] =	wrdreg $0x9  }
0xbf: {  	_ =	task.clear_ibuf [dreg:s22], $0x4FFFF;
	_ =	strace $0x90000049  }
0xc0: {  	s29 =	simm.s32 $0x9;
	_ =	strace $0x8000004B  }
0xc1: {  	_ =	swait.ge [sflag:s29], $0x1  }
0xc2: {  	[sflag:s29] =	ssyncadd.s32 $0xFFFFFFFF  }
0xc3: {  	_ =	strace $0x9000004B  }
0xc4: {  	_ =	sfence  }
0xc5: {  	s30 =	sld [smem:$0x0];
	_ =	sdelay $0x2  }
0xc6: {  	s31 =	sshll.u32 s1, $0xD;
	s1 =	sshrl.u32 s1, $0x2  }
0xc7: {  	s4 =	sand.u32 $0x4000, s31;
	s1 =	sadd.s32 s1, s30  }
0xc8: {  	s0 =	sor.u32 s4, s0;
	s1 =	sshll.u32 s1, $0x11  }
0xc9: {  	s0 =	sor.u32 s1, s0  }
0xca: {  	s0 =	sadd.s32 $0x8F2B, s0  }
0xcb: {  	[sflag:s0] =	ssyncadd.remote.s32 $0x1  }
0xcc: {  	_ =	sfence.sel $0xFFFF  }
0xcd: {  	[dreg:$0x0] =	wrdreg $0xFFFFFFFF;
	(pc) =	sbr.abs _section_cstart, $3  }
0xce: {  	[dreg:$0x1] =	wrdreg $0xFFFFFFFF  }
0xcf: {  	_ =	task.clear_ibuf [dreg:s22], $0x2FFFF;
	_ =	strace $0x9FFFFFFF  }
0xd0: {  	(tm) =	ssettm $0x7FFFFFFF  }
0xd1: {  	_ =	shalt  }
tec
execute0_lowered:
.L_overlay_start_1:
0x0: {  	(tag) =	ssettag $0x1  }
0x1: {  	s7 =	rddreg [dreg:$0x0]  }
0x2: {  	s0 =	rddreg [dreg:$0x1];
	_ =	strace $0x8000004A  }
0x3: {  	s1 =	srdreg.scid;
	s4 =	simm.s32 $0x1;
	s9 =	simm.s32 $0x3  }
0x4: {  	s11 =	simm.s32 $0x0;
	p0 =	por $0x0, $0x0;
	s5 =	sshll.u32 s1, $0x4  }
.Ltmp0:
0x5: {  	s1 =	stileid.u32;
	s5 =	sand.u32 $0x10, s5;
	(pc) =	sbr.rel .LBB2_1-.Ltmp0, $4  }
0x6: {  	s2 =	sadd.s32 $0x44200, s7;
	s3 =	sadd.s32 $0x200, s7;
	s6 =	sor.u32 s1, s5  }
0x7: {  	[sflag:s4] =	ssyncpa.u1 $0x0;
	s5 =	simm.s32 $0x2;
	s6 =	sshll.u32 s6, $0x9  }
0x8: {  	s7 =	sadd.s32 $0x1A00, s7;
	[sflag:s5] =	ssyncpa.u1 $0x0;
	s8 =	sadd.s32 $0x200, s6  }
0x9: {  	vm0 =	vmmov $0xff;
	vm1 =	vcmask $0x3F20;
	[sflag:s9] =	ssyncpa.u1 $0x0;
	s10 =	smov.u32 s6;
	s9 =	simm.s32 $0x0  }
.LBB2_7:
0xa: {  	p1 =	slt.u32 s9, $0x2;
	s11 =	sadd.s32 $0x100, s10  }
0xb: {  	s13 =	smov.u32 s6;
	s9 =	sadd.s32 $0x1, s9;
	p2 =	slt.s32 s11, s8  }
0xc: {  	s13 =	smov.u32 @p2 s11;
	p2 =	sne.s32 s9, $0x4  }
.Ltmp1:
0xd: {  	_ = 	snop;
	(pc) =	sbr.rel @!p2 .LBB2_8-.Ltmp1, $4  }
0xe: {  	s12 =	simm.s32 @!p1 $0x3  }
0xf: {  	_ =	swait.ge @!p1 [sflag:s12], $0x8000  }
0x10: {  	p0 =	por !p0, !p0;
	[sflag:s12] =	ssyncset.done @!p1 $0x0  }
0x11: {  	s11 =	smov.u32 s10;
	s10 =	smov.u32 s13;
	[sflag:s12] =	ssyncadd.s32 @!p1 $0xFFFF8000  }
.LBB2_1:
0x12: {  	p1 =	sgt.u32 s9, $0x1  }
0x13: {  	s12 =	sshll.u32 @!p1 s9, $0x8;
	s13 =	sshrl.u32 @!p1 s10, $0x3  }
0x14: {  	s14 =	sand.u32 @!p1 $0x7, s10;
	s12 =	sxor.u32 @!p1 $0x100, s12;
	s13 =	sadd.s32 @!p1 s3, s13  }
0x15: {  	[tilespmem:s12], [sflag:$0x2] =	stream.linear.gather @!p1 [hbm4b:s13+s14], $0x100, $0x38;
	[tilespmem:$0x10200] =	vst v63  }
0x16: {  	p1 =	seq.s32 s9, $0x0  }
0x17: {  	p2 =	seq.s32 @!p1 s9, $0x3  }
0x18: {  	p1 =	por p1, p2  }
.Ltmp2:
0x19: {  	_ = 	snop;
	(pc) =	sbr.rel @p1 .LBB2_7-.Ltmp2, $1  }
0x1a: {  	_ =	sdelay $0x3  }
0x1b: {  	s12 =	simm.s32 $0x1  }
0x1c: {  	_ =	swait.ge [sflag:s5], $0x100;
	s12 =	simm.s32 @!p0 $0x0  }
0x1d: {  	[sflag:s5] =	ssyncset.done $0x0;
	s14 =	sshll.u32 s12, $0x8  }
0x1e: {  	[sflag:s5] =	ssyncadd.s32 $0xFFFFFF00;
	s13 =	sadd.s32 $0x0, s14  }
0x1f: {  	v0 =	vld.msk [tilespmem:s13+$0x0 ss:$0x1], $0xffff;
	_ =	sdelay $0x4  }
0x20: {  	vm2 =	vgt.s32 v0, $0x0  }
0x21: {  	v0 =	vnsel vm2, $0x0, v0  }
0x22: {  	v0 =	vmin.u32 v0, $0xF423F  }
0x23: {  	v0 =	vshll.u32 v0, $0x4;
	_ =	sdelay $0x2  }
0x24: {  	s12 =	sshll.u32 s12, $0xF  }
0x25: {  	s12 =	sor.u32 $0x200, s12  }
0x26: {  	[tilespmem:s12], [sflag:$0x1] =	stream.indirect_vreg.gather [hbm:s2], $0x80, v0, vm0, $0x38;
	[tilespmem:$0x10200] =	vst v63  }
0x27: {  	s15 =	sadd.s32 $0x10, s14;
	s13 =	sadd.s32 $0x400, s12  }
0x28: {  	[tilespmem:s13], [sflag:$0x1] =	stream.indirect_vreg.gather [hbm:s2], $0x80, v0, vm1, $0x38;
	[tilespmem:$0x10200] =	vst v63  }
0x29: {  	s16 =	simm.s32 $0x80;
	v0 =	vld.msk [tilespmem:s15+$0x0 ss:$0x1], $0xffff;
	s15 =	smov.u32 s12  }
.LBB2_3:
0x2a: {  	p1 =	sne.s32 s16, $0x3C0;
	_ =	sdelay $0x4  }
0x2b: {  	vm2 =	vgt.s32 v0, $0x0  }
0x2c: {  	v0 =	vnsel vm2, $0x0, v0  }
0x2d: {  	v0 =	vmin.u32 v0, $0xF423F  }
0x2e: {  	v0 =	vshll.u32 v0, $0x4;
	_ =	sdelay $0x3  }
.Ltmp3:
0x2f: {  	s17 =	sshra.s32 s16, $0x2;
	s15 =	sadd.s32 $0x800, s15;
	(pc) =	sbr.rel @p1 .LBB2_3-.Ltmp3, $4  }
0x30: {  	[tilespmem:s15], [sflag:$0x1] =	stream.indirect_vreg.gather [hbm:s2], $0x80, v0, vm0, $0x38;
	[tilespmem:$0x10200] =	vst v63  }
0x31: {  	s17 =	sadd.s32 s17, s14;
	s18 =	sadd.s32 $0x400, s15  }
0x32: {  	[tilespmem:s18], [sflag:$0x1] =	stream.indirect_vreg.gather [hbm:s2], $0x80, v0, vm1, $0x38;
	[tilespmem:$0x10200] =	vst v63  }
0x33: {  	s16 =	sadd.s32 $0x40, s16;
	v0 =	vld.msk [tilespmem:s17+$0x0 ss:$0x1], $0xffff  }
0x34: {  	_ =	sdelay $0x3  }
0x35: {  	vm2 =	vgt.s32 v0, $0x0  }
0x36: {  	v0 =	vnsel vm2, $0x0, v0  }
0x37: {  	v0 =	vmin.u32 v0, $0xF423F  }
0x38: {  	v0 =	vshll.u32 v0, $0x4;
	_ =	sdelay $0x3  }
0x39: {  	s14 =	sadd.s32 $0x800, s15  }
0x3a: {  	[tilespmem:s14], [sflag:$0x1] =	stream.indirect_vreg.gather [hbm:s2], $0x80, v0, vm0, $0x38;
	[tilespmem:$0x10200] =	vst v63  }
0x3b: {  	s14 =	sadd.s32 $0x400, s14  }
0x3c: {  	[tilespmem:s14], [sflag:$0x1] =	stream.indirect_vreg.gather [hbm:s2], $0x80, v0, vm1, $0x38;
	[tilespmem:$0x10200] =	vst v63  }
0x3d: {  	s11 =	sshll.u32 s11, $0x4;
	_ =	swait.ge [sflag:s4], $0x8000  }
0x3e: {  	s11 =	sadd.s32 s11, s7;
	[sflag:s4] =	ssyncset.done $0x0  }
0x3f: {  	s15 =	sadd.s32 $0x0, s11;
	s14 =	simm.s32 $0x80;
	[sflag:s4] =	ssyncadd.s32 $0xFFFF8000  }
.LBB2_5:
0x40: {  	[hbm:s15] =	stream.linear.scatter [tilespmem:s12], [sflag:$0x3], $0x400, $0x38;
	[tilespmem:$0x10200] =	vst v63  }
0x41: {  	s15 =	smov.u32 s14;
	s12 =	smov.u32 s13;
	p1 =	sne.s32 s14, $0xF80  }
.Ltmp4:
0x42: {  	s14 =	sadd.s32 $0x80, s14;
	(pc) =	sbr.rel @p1 .LBB2_5-.Ltmp4, $2  }
0x43: {  	_ =	sdelay $0x2  }
0x44: {  	s13 =	sadd.s32 $0x400, s13;
	s15 =	sadd.s32 s15, s11  }
.Ltmp5:
0x45: {  	(pc) =	sbr.rel .LBB2_7-.Ltmp5, $2  }
0x46: {  	_ =	sdelay $0x2  }
0x47: {  	[hbm:s15] =	stream.linear.scatter [tilespmem:s12], [sflag:$0x3], $0x400, $0x38;
	[tilespmem:$0x10200] =	vst v63  }
.LBB2_8:
0x48: {  	_ =	sfence.sel $0x180000  }
0x49: {  	s2 =	simm.s32 $0x2;
	[bflag:$0x0] =	sbarrier.arrive $0xFFFF  }
0x4a: {  	s30 =	simm.s32 $0x3;
	[sflag:s2] =	ssyncpa.u1 $0x1  }
0x4b: {  	s31 =	simm.s32 $0x1;
	[sflag:s30] =	ssyncpa.u1 $0x1  }
0x4c: {  	[sflag:s31] =	ssyncpa.u1 $0x1  }
0x4d: {  	p0 =	sne.s32 s1, $0x0;
	_ =	strace $0x9000004A  }
0x4e: {  	s0 =	sadd.s32 @!p0 $0x100000, s0;
	[bflag:$0x2] =	sbarrier.arrive $0xFFFF  }
0x4f: {  	[sflag:s0] =	ssyncadd.tile.s32 @!p0 $0x1;
	_ =	shalt  }
.Lfunc_end2:
_tile_overlayer_lowered:
.L_overlay_start_2:
0x50: {  	(tag) =	ssettag $0x2  }
0x51: {  	s0 =	rddreg [dreg:$0x0];
	s2 =	stileid.u32  }
0x52: {  	s1 =	rddreg [dreg:$0x1];
	p0 =	sne.s32 s2, $0x0  }
0x53: {  	s3 =	rddreg [dreg:$0x2];
	[bflag:$0x3] =	sbarrier.arrive $0xFFFF;
	s2 =	simm.s32 @!p0 $0x1C01  }
0x54: {  	[timem:s3], [sflag:s2] =	dma.local @!p0 [hbm:s0], s1  }
0x55: {  	s0 =	simm.s32 @!p0 $0x1  }
0x56: {  	_ =	swait.ge @!p0 [sflag:s0], s1  }
0x57: {  	s1 =	ssub.s32 @!p0 $0x0, s1;
	[sflag:s0] =	ssyncset.done @!p0 $0x0  }
0x58: {  	[sflag:s0] =	ssyncadd.s32 @!p0 s1  }
0x59: {  	[bflag:$0x3] =	sbarrier.arrive $0xFFFF  }
0x5a: {  	_ =	shalt  }

</sc_bundles>
